<compile_context>
chip_gen: v7x
topology: tpu7x:2x2x1
jax: 0.10.2.dev20260603
libtpu: 0.0.44.dev20260713+nightly
codegen_flags: <defaults>
</compile_context>

<pallas_src>
import functools

import jax
import jax.numpy as jnp
from jax import lax
from jax.experimental import pallas as pl
from jax.experimental.pallas import tpu as pltpu
from jax.experimental.pallas import tpu_sc as plsc

N = 10000
E = 320000
D = 128

NC = 2
NS = 16
NW = NC * NS

NPAD = 10112
EPAD = 327680
EPT = EPAD // NW
CH = 128
TCHUNK = EPAD // CH
CPT0 = 80
CPT1 = TCHUNK // NS - CPT0
SEG = 16
ROWS_PER_TILE = NPAD // NS


def _sc_mesh():
    return plsc.VectorSubcoreMesh(
        core_axis_name="c", subcore_axis_name="s", num_cores=NC, num_subcores=NS
    )


_PR = NPAD // 128


def _deg_body(src_h, dst_h, zeros_h, cs_out, cd_out,
              idx_s, idx_d, cs_v, cd_v):
    cid = lax.axis_index("c")
    sid = lax.axis_index("s")
    gid = cid * NS + sid
    pltpu.sync_copy(src_h.at[gid], idx_s)
    pltpu.sync_copy(dst_h.at[gid], idx_d)
    pltpu.sync_copy(zeros_h, cs_v)
    pltpu.sync_copy(zeros_h, cd_v)
    ones = jnp.ones((16,), jnp.float32)

    def body(i, carry):
        s = idx_s[pl.ds(i * 16, 16)]
        plsc.addupdate_scatter(
            cs_v, [lax.shift_right_logical(s, 7), lax.bitwise_and(s, 127)], ones)
        d = idx_d[pl.ds(i * 16, 16)]
        plsc.addupdate_scatter(
            cd_v, [lax.shift_right_logical(d, 7), lax.bitwise_and(d, 127)], ones)
        return carry

    lax.fori_loop(0, EPT // 16, body, 0)
    pltpu.sync_copy(cs_v, cs_out.at[gid])
    pltpu.sync_copy(cd_v, cd_out.at[gid])


def _make_deg_kernel():
    return pl.kernel(
        _deg_body,
        out_type=(
            jax.ShapeDtypeStruct((NW, _PR, 128), jnp.float32),
            jax.ShapeDtypeStruct((NW, _PR, 128), jnp.float32),
        ),
        mesh=_sc_mesh(),
        scratch_types=[
            pltpu.VMEM((EPT,), jnp.int32),
            pltpu.VMEM((EPT,), jnp.int32),
            pltpu.VMEM((_PR, 128), jnp.float32),
            pltpu.VMEM((_PR, 128), jnp.float32),
        ],
        compiler_params=pltpu.CompilerParams(needs_layout_passes=False),
    )


def _agg_body(h_h, sd_h, zeros_h, acc_out,
              idx_sd, rows_v, gsem, acc_sh):
    cid = lax.axis_index("c")
    sid = lax.axis_index("s")
    idx_s = idx_sd.at[0]
    idx_d = idx_sd.at[1]
    r0 = sid * ROWS_PER_TILE
    pltpu.sync_copy(zeros_h.at[pl.ds(r0, ROWS_PER_TILE)],
                    acc_sh.at[pl.ds(r0, ROWS_PER_TILE)])
    plsc.subcore_barrier()

    chunk_base = jnp.where(cid == 0, sid * CPT0, NS * CPT0 + sid * CPT1)
    pltpu.sync_copy(sd_h.at[:, pl.ds(chunk_base, CPT0), :], idx_sd)

    def body(c, carry):
        pltpu.async_copy(h_h.at[idx_s.at[c]], rows_v, gsem).wait()
        pltpu.sync_copy(rows_v, acc_sh.at[idx_d.at[c]], add=True)
        return carry

    lax.fori_loop(0, CPT0, body, 0)
    plsc.subcore_barrier()
    pltpu.sync_copy(acc_sh.at[pl.ds(r0, ROWS_PER_TILE)],
                    acc_out.at[cid].at[pl.ds(r0, ROWS_PER_TILE)])


def _make_agg_kernel():
    return pl.kernel(
        _agg_body,
        out_type=jax.ShapeDtypeStruct((NC, NPAD, D), jnp.float32),
        mesh=_sc_mesh(),
        scratch_types=[
            pltpu.VMEM((2, CPT0, CH), jnp.int32),
            pltpu.VMEM((CH, D), jnp.float32),
            pltpu.SemaphoreType.DMA,
            pltpu.VMEM_SHARED((NPAD, D), jnp.float32),
        ],
    )


_NB = 128
_PB = _NB // 128


def _unpack_rdeg(cnt_ref, i):
    deg_p = jnp.sum(cnt_ref[:, pl.ds(i, 1), :], axis=0)
    row = lax.broadcasted_iota(jnp.int32, (_NB, D), 0)
    lane = lax.broadcasted_iota(jnp.int32, (_NB, D), 1)
    sel = jnp.where(lane == row, jnp.broadcast_to(deg_p, (_NB, D)), 0.0)
    deg = jnp.sum(sel, axis=1, keepdims=True)
    return 1.0 / jnp.sqrt(jnp.maximum(deg, 1.0))


def _scale_body(feat_ref, cnt_ref, h_ref):
    h_ref[...] = feat_ref[...] * _unpack_rdeg(cnt_ref, pl.program_id(0))


def _scale_call(feat_pad, cnt_src):
    return pl.pallas_call(
        _scale_body,
        grid=(NPAD // _NB,),
        in_specs=[
            pl.BlockSpec((_NB, D), lambda i: (i, 0)),
            pl.BlockSpec((NW, _PR, 128), lambda i: (0, 0, 0)),
        ],
        out_specs=pl.BlockSpec((_NB, D), lambda i: (i, 0)),
        out_shape=jax.ShapeDtypeStruct((NPAD, D), jnp.float32),
    )(feat_pad, cnt_src)


def _proj_body(acc_ref, cnt_ref, w_ref, b_ref, h2_ref, sums_ref):
    i = pl.program_id(0)
    r = _unpack_rdeg(cnt_ref, i)
    agg = (acc_ref[0] + acc_ref[1]) * r
    h2 = jnp.dot(agg, w_ref[...],
                 preferred_element_type=jnp.float32) + b_ref[...]
    h2_ref[...] = h2
    row = i * _NB + lax.broadcasted_iota(jnp.int32, (_NB, 1), 0)
    m = (row < N).astype(jnp.float32)
    h2m = h2 * m

    @pl.when(i == 0)
    def _():
        sums_ref[...] = jnp.zeros_like(sums_ref)

    sums_ref[0:1, :] += jnp.sum(h2m, axis=0, keepdims=True)
    sums_ref[1:2, :] += jnp.sum(h2m * h2m, axis=0, keepdims=True)


def _proj_call(acc, cnt_dst, W, b2):
    return pl.pallas_call(
        _proj_body,
        grid=(NPAD // _NB,),
        in_specs=[
            pl.BlockSpec((NC, _NB, D), lambda i: (0, i, 0)),
            pl.BlockSpec((NW, _PR, 128), lambda i: (0, 0, 0)),
            pl.BlockSpec((D, D), lambda i: (0, 0)),
            pl.BlockSpec((1, D), lambda i: (0, 0)),
        ],
        out_specs=[
            pl.BlockSpec((_NB, D), lambda i: (i, 0)),
            pl.BlockSpec((2, D), lambda i: (0, 0)),
        ],
        out_shape=[
            jax.ShapeDtypeStruct((NPAD, D), jnp.float32),
            jax.ShapeDtypeStruct((2, D), jnp.float32),
        ],
    )(acc, cnt_dst, W, b2)


_NE = 1000


def _bn_body(h2_ref, sums_ref, g_ref, be_ref, feat_ref, o_ref):
    inv_n = 1.0 / N
    mu = sums_ref[0:1, :] * inv_n
    var = sums_ref[1:2, :] * inv_n - mu * mu
    inv = 1.0 / jnp.sqrt(var + 1e-5)
    h = (h2_ref[...] - mu) * (inv * g_ref[...]) + be_ref[...]
    o_ref[...] = feat_ref[...] + jnp.maximum(h, 0.0)


def _bn_call(h2, sums, g2, be2, feature):
    return pl.pallas_call(
        _bn_body,
        grid=(N // _NE,),
        in_specs=[
            pl.BlockSpec((_NE, D), lambda i: (i, 0)),
            pl.BlockSpec((2, D), lambda i: (0, 0)),
            pl.BlockSpec((1, D), lambda i: (0, 0)),
            pl.BlockSpec((1, D), lambda i: (0, 0)),
            pl.BlockSpec((_NE, D), lambda i: (i, 0)),
        ],
        out_specs=pl.BlockSpec((_NE, D), lambda i: (i, 0)),
        out_shape=jax.ShapeDtypeStruct((N, D), jnp.float32),
    )(h2, sums, g2, be2, feature)


def kernel(feature, edge_index, W, b, gamma, beta):
    src = edge_index[0].astype(jnp.int32)
    dst = edge_index[1].astype(jnp.int32)
    src_pad = jnp.pad(src, (0, EPAD - E), constant_values=N)
    dst_pad = jnp.pad(dst, (0, EPAD - E), constant_values=N)
    sd3 = jnp.stack([src_pad.reshape(TCHUNK, CH),
                     dst_pad.reshape(TCHUNK, CH)], axis=0)
    src2 = src_pad.reshape(NW, EPT)
    dst2 = dst_pad.reshape(NW, EPT)
    feat_pad = jnp.pad(feature, ((0, NPAD - N), (0, 0)))

    zerosD = jnp.zeros((NPAD, D), jnp.float32)
    zerosP = jnp.zeros((_PR, 128), jnp.float32)

    cnt_src, cnt_dst = _make_deg_kernel()(src2, dst2, zerosP)
    h = _scale_call(feat_pad, cnt_src)
    acc = _make_agg_kernel()(h, sd3, zerosD)
    h2, sums = _proj_call(acc, cnt_dst, W, b.reshape(1, D))
    out = _bn_call(h2, sums, gamma.reshape(1, D), beta.reshape(1, D), feature)
    return out

# --- scband reference (transcript-rebuilt; emitter-appended) ---
"""Pipeline reference for scband-gcnlayer-28776280883474 (READ-ONLY COPY).

The authoritative reference and input builder live on the scoring server;
editing this copy changes nothing except your own understanding.
"""

import jax, jax.numpy as jnp
import numpy as np

N_NODES = 10000
N_EDGES = 320000
D_IN = 128
D_OUT = 128


def setup_inputs(seed: int = 0) -> dict:
    key = jax.random.key(seed)
    k1, k2, k3, k4 = jax.random.split(key, 4)
    feature = jax.random.normal(k1, (N_NODES, D_IN), dtype=jnp.float32)
    edge_index = jax.random.randint(k2, (2, N_EDGES), 0, N_NODES, dtype=jnp.int64)
    # learned params: GraphConv weight/bias + BatchNorm gamma/beta
    W = jax.random.normal(k3, (D_IN, D_OUT), dtype=jnp.float32) * (1.0 / np.sqrt(D_IN))
    b = jnp.zeros((D_OUT,), dtype=jnp.float32)
    gamma = jnp.ones((D_OUT,), dtype=jnp.float32)
    beta = jnp.zeros((D_OUT,), dtype=jnp.float32)
    return {"feature": feature, "edge_index": edge_index, "W": W, "b": b, "gamma": gamma, "beta": beta}


def reference(feature, edge_index, W, b, gamma, beta):
    # GCNLayer forward: GraphConv(norm='both') -> BatchNorm1d -> relu -> residual
    n = feature.shape[0]
    src = edge_index[0]
    dst = edge_index[1]
    # DGL 'both' normalization: D_out^{-1/2} on source side, D_in^{-1/2} on dest side
    deg_out = jnp.clip(jnp.bincount(src, length=n), 1, None).astype(feature.dtype)
    deg_in = jnp.clip(jnp.bincount(dst, length=n), 1, None).astype(feature.dtype)
    h = feature * (deg_out ** -0.5)[:, None]
    # message passing: gather from src, scatter-add to dst
    msg = jnp.take(h, src, axis=0)
    agg = jax.ops.segment_sum(msg, dst, num_segments=n)
    agg = agg * (deg_in ** -0.5)[:, None]
    # linear projection + bias
    h = agg @ W + b
    # BatchNorm1d (training-mode batch statistics)
    mu = jnp.mean(h, axis=0)
    var = jnp.var(h, axis=0)
    h = (h - mu) / jnp.sqrt(var + 1e-5) * gamma + beta
    # activation
    h = jax.nn.relu(h)
    # residual (in_dim == out_dim)
    h = feature + h
    return h

if __name__ == "__main__":
    import jax
    _d = setup_inputs()
    print(jax.jit(kernel)(*tuple(_d.values())))

</pallas_src>

<mosaic_0001>
#map = affine_map<(d0, d1) -> (0, 0)>
#map1 = affine_map<(d0, d1) -> (0, 0, 0)>
module attributes {stable_mosaic.version = 14 : i64} {
  func.func @_agg_body(%arg0: i32, %arg1: i32, %arg2: memref<10112x128xf32, #tpu.memory_space<hbm>>, %arg3: memref<2x2560x128xi32, #tpu.memory_space<hbm>>, %arg4: memref<10112x128xf32, #tpu.memory_space<hbm>>, %arg5: memref<2x10112x128xf32, #tpu.memory_space<hbm>>, %arg6: memref<2x80x128xi32, #tpu.memory_space<vmem>>, %arg7: memref<128x128xf32, #tpu.memory_space<vmem>>, %arg8: memref<!tpu.dma_semaphore, #tpu.memory_space<semaphore_mem>>, %arg9: memref<10112x128xf32, #tpu.memory_space<vmem_shared>>) attributes {dimension_semantics = [#tpu.dimension_semantics<core_parallel>, #tpu.dimension_semantics<subcore_parallel>], iteration_bounds = array<i64: 2, 16>, scalar_prefetch = 0 : i64, scratch_operands = 4 : i64, tpu.core_type = #tpu.core_type<sc_vector_subcore>, window_params = [{transform_indices = #map}, {transform_indices = #map1}, {transform_indices = #map}, {transform_indices = #map1}]} {
    %mul3A = arith.constant 632 : i32
    %mul3A_0 = arith.muli %arg1, %mul3A : i32
    "tpu.region"() ({
      %run_scoped3A = tpu.sem_alloc : memref<!tpu.dma_semaphore, #tpu.memory_space<semaphore_mem>>
      %dma_start3A = arith.constant 0 : i32
      %dma_start3A_15 = tpu.memref_slice %arg9[%mul3A_0, %dma_start3A] : memref<10112x128xf32, #tpu.memory_space<vmem_shared>> -> memref<632x128xf32, #tpu.memory_space<vmem_shared>>
      %dma_start3A_16 = arith.constant 0 : i32
      %dma_start3A_17 = tpu.memref_slice %arg4[%mul3A_0, %dma_start3A_16] : memref<10112x128xf32, #tpu.memory_space<hbm>> -> memref<632x128xf32, #tpu.memory_space<hbm>>
      tpu.enqueue_dma source(%dma_start3A_17 : memref<632x128xf32, #tpu.memory_space<hbm>>) target(%dma_start3A_15 : memref<632x128xf32, #tpu.memory_space<vmem_shared>>) target_semaphore(%run_scoped3A : memref<!tpu.dma_semaphore, #tpu.memory_space<semaphore_mem>>)
      %dma_wait3A = arith.constant 0 : i32
      %dma_wait3A_18 = tpu.memref_slice %arg9[%mul3A_0, %dma_wait3A] : memref<10112x128xf32, #tpu.memory_space<vmem_shared>> -> memref<632x128xf32, #tpu.memory_space<vmem_shared>>
      %dma_wait3A_19 = arith.constant 0 : i32
      %dma_wait3A_20 = tpu.memref_slice %arg4[%mul3A_0, %dma_wait3A_19] : memref<10112x128xf32, #tpu.memory_space<hbm>> -> memref<632x128xf32, #tpu.memory_space<hbm>>
      tpu.wait_dma2 semaphore(%run_scoped3A : memref<!tpu.dma_semaphore, #tpu.memory_space<semaphore_mem>>) src(%dma_wait3A_20 : memref<632x128xf32, #tpu.memory_space<hbm>>) dst(%dma_wait3A_18 : memref<632x128xf32, #tpu.memory_space<vmem_shared>>)
      tpu.yield
    }) : () -> ()
    %barrier3A = arith.constant 0 : index
    tpu.barrier barrier_id(%barrier3A)
    %eq3A = arith.constant 0 : i32
    %eq3A_1 = arith.cmpi eq, %arg0, %eq3A : i32
    %mul3A_2 = arith.constant 80 : i32
    %mul3A_3 = arith.muli %arg1, %mul3A_2 : i32
    %mul3A_4 = arith.constant 80 : i32
    %mul3A_5 = arith.muli %arg1, %mul3A_4 : i32
    %add3A = arith.constant 1280 : i32
    %add3A_6 = arith.addi %add3A, %mul3A_5 : i32
    %select_n3A = arith.select %eq3A_1, %mul3A_3, %add3A_6 : i32
    "tpu.region"() ({
      %run_scoped3A = tpu.sem_alloc : memref<!tpu.dma_semaphore, #tpu.memory_space<semaphore_mem>>
      %dma_start3A = arith.constant 0 : i32
      %dma_start3A_15 = arith.constant 0 : i32
      %dma_start3A_16 = tpu.memref_slice %arg3[%dma_start3A, %select_n3A, %dma_start3A_15] : memref<2x2560x128xi32, #tpu.memory_space<hbm>> -> memref<2x80x128xi32, #tpu.memory_space<hbm>>
      %dma_start3A_17 = arith.constant 0 : i32
      %dma_start3A_18 = arith.constant 0 : i32
      %dma_start3A_19 = tpu.memref_slice %arg3[%dma_start3A_17, %select_n3A, %dma_start3A_18] : memref<2x2560x128xi32, #tpu.memory_space<hbm>> -> memref<2x80x128xi32, #tpu.memory_space<hbm>>
      tpu.enqueue_dma source(%dma_start3A_19 : memref<2x80x128xi32, #tpu.memory_space<hbm>>) target(%arg6 : memref<2x80x128xi32, #tpu.memory_space<vmem>>) target_semaphore(%run_scoped3A : memref<!tpu.dma_semaphore, #tpu.memory_space<semaphore_mem>>)
      %dma_wait3A = arith.constant 0 : i32
      %dma_wait3A_20 = arith.constant 0 : i32
      %dma_wait3A_21 = tpu.memref_slice %arg3[%dma_wait3A, %select_n3A, %dma_wait3A_20] : memref<2x2560x128xi32, #tpu.memory_space<hbm>> -> memref<2x80x128xi32, #tpu.memory_space<hbm>>
      %dma_wait3A_22 = arith.constant 0 : i32
      %dma_wait3A_23 = arith.constant 0 : i32
      %dma_wait3A_24 = tpu.memref_slice %arg3[%dma_wait3A_22, %select_n3A, %dma_wait3A_23] : memref<2x2560x128xi32, #tpu.memory_space<hbm>> -> memref<2x80x128xi32, #tpu.memory_space<hbm>>
      tpu.wait_dma2 semaphore(%run_scoped3A : memref<!tpu.dma_semaphore, #tpu.memory_space<semaphore_mem>>) src(%dma_wait3A_24 : memref<2x80x128xi32, #tpu.memory_space<hbm>>) dst(%arg6 : memref<2x80x128xi32, #tpu.memory_space<vmem>>)
      tpu.yield
    }) : () -> ()
    %scan3A = arith.constant 0 : i32
    %scan3A_7 = arith.constant 0 : i32
    %scan3A_8 = arith.constant 1 : i32
    %scan3A_9 = arith.constant 0 : i32
    %scan3A_10 = arith.constant 80 : i32
    %scan3A_11 = arith.addi %scan3A_9, %scan3A_10 : i32
    %scan3A_12 = arith.constant 1 : i32
    scf.for %scan3A_15 = %scan3A_9 to %scan3A_11 step %scan3A_12  : i32 {
      %dma_start3A = arith.constant 0 : i32
      %dma_start3A_16 = arith.constant 0 : i32
      %dma_start3A_17 = tpu.memref_slice %arg6[%scan3A_7, %dma_start3A, %dma_start3A_16] : memref<2x80x128xi32, #tpu.memory_space<vmem>> -> memref<1x80x128xi32, #tpu.memory_space<vmem>>
      %dma_start3A_18 = tpu.memref_squeeze %dma_start3A_17 : memref<1x80x128xi32, #tpu.memory_space<vmem>> -> memref<80x128xi32, #tpu.memory_space<vmem>>
      %dma_start3A_19 = arith.constant 0 : i32
      %dma_start3A_20 = tpu.memref_slice %dma_start3A_18[%scan3A_15, %dma_start3A_19] : memref<80x128xi32, #tpu.memory_space<vmem>> -> memref<1x128xi32, #tpu.memory_space<vmem>>
      %dma_start3A_21 = tpu.memref_squeeze %dma_start3A_20 : memref<1x128xi32, #tpu.memory_space<vmem>> -> memref<128xi32, #tpu.memory_space<vmem>>
      %dma_start3A_22 = arith.constant 0 : i32
      %dma_start3A_23 = arith.constant 0 : i32
      %dma_start3A_24 = tpu.memref_slice %arg2[%dma_start3A_22, %dma_start3A_23] : memref<10112x128xf32, #tpu.memory_space<hbm>> -> memref<10112x128xf32, #tpu.memory_space<hbm>>
      tpu.enqueue_indirect_dma source(%dma_start3A_24 : memref<10112x128xf32, #tpu.memory_space<hbm>>) target(%arg7 : memref<128x128xf32, #tpu.memory_space<vmem>>) offsets(%dma_start3A_21 : memref<128xi32, #tpu.memory_space<vmem>>) semaphore(%arg8 : memref<!tpu.dma_semaphore, #tpu.memory_space<semaphore_mem>>)
      %dma_wait3A = arith.constant 0 : i32
      %dma_wait3A_25 = arith.constant 0 : i32
      %dma_wait3A_26 = tpu.memref_slice %arg6[%scan3A_7, %dma_wait3A, %dma_wait3A_25] : memref<2x80x128xi32, #tpu.memory_space<vmem>> -> memref<1x80x128xi32, #tpu.memory_space<vmem>>
      %dma_wait3A_27 = tpu.memref_squeeze %dma_wait3A_26 : memref<1x80x128xi32, #tpu.memory_space<vmem>> -> memref<80x128xi32, #tpu.memory_space<vmem>>
      %dma_wait3A_28 = arith.constant 0 : i32
      %dma_wait3A_29 = tpu.memref_slice %dma_wait3A_27[%scan3A_15, %dma_wait3A_28] : memref<80x128xi32, #tpu.memory_space<vmem>> -> memref<1x128xi32, #tpu.memory_space<vmem>>
      %dma_wait3A_30 = tpu.memref_squeeze %dma_wait3A_29 : memref<1x128xi32, #tpu.memory_space<vmem>> -> memref<128xi32, #tpu.memory_space<vmem>>
      %dma_wait3A_31 = arith.constant 0 : i32
      %dma_wait3A_32 = arith.constant 0 : i32
      %dma_wait3A_33 = tpu.memref_slice %arg2[%dma_wait3A_31, %dma_wait3A_32] : memref<10112x128xf32, #tpu.memory_space<hbm>> -> memref<10112x128xf32, #tpu.memory_space<hbm>>
      tpu.wait_indirect_dma semaphore(%arg8 : memref<!tpu.dma_semaphore, #tpu.memory_space<semaphore_mem>>) src(%dma_wait3A_33 : memref<10112x128xf32, #tpu.memory_space<hbm>>) dst(%arg7 : memref<128x128xf32, #tpu.memory_space<vmem>>)
      "tpu.region"() ({
        %run_scoped3A = tpu.sem_alloc : memref<!tpu.dma_semaphore, #tpu.memory_space<semaphore_mem>>
        %dma_start3A_34 = arith.constant 0 : i32
        %dma_start3A_35 = arith.constant 0 : i32
        %dma_start3A_36 = tpu.memref_slice %arg6[%scan3A_8, %dma_start3A_34, %dma_start3A_35] : memref<2x80x128xi32, #tpu.memory_space<vmem>> -> memref<1x80x128xi32, #tpu.memory_space<vmem>>
        %dma_start3A_37 = tpu.memref_squeeze %dma_start3A_36 : memref<1x80x128xi32, #tpu.memory_space<vmem>> -> memref<80x128xi32, #tpu.memory_space<vmem>>
        %dma_start3A_38 = arith.constant 0 : i32
        %dma_start3A_39 = tpu.memref_slice %dma_start3A_37[%scan3A_15, %dma_start3A_38] : memref<80x128xi32, #tpu.memory_space<vmem>> -> memref<1x128xi32, #tpu.memory_space<vmem>>
        %dma_start3A_40 = tpu.memref_squeeze %dma_start3A_39 : memref<1x128xi32, #tpu.memory_space<vmem>> -> memref<128xi32, #tpu.memory_space<vmem>>
        %dma_start3A_41 = arith.constant 0 : i32
        %dma_start3A_42 = arith.constant 0 : i32
        %dma_start3A_43 = tpu.memref_slice %arg9[%dma_start3A_41, %dma_start3A_42] : memref<10112x128xf32, #tpu.memory_space<vmem_shared>> -> memref<10112x128xf32, #tpu.memory_space<vmem_shared>>
        tpu.enqueue_indirect_dma source(%arg7 : memref<128x128xf32, #tpu.memory_space<vmem>>) target(%dma_start3A_43 : memref<10112x128xf32, #tpu.memory_space<vmem_shared>>) offsets(%dma_start3A_40 : memref<128xi32, #tpu.memory_space<vmem>>) semaphore(%run_scoped3A : memref<!tpu.dma_semaphore, #tpu.memory_space<semaphore_mem>>) {add = true}
        %dma_wait3A_44 = arith.constant 0 : i32
        %dma_wait3A_45 = arith.constant 0 : i32
        %dma_wait3A_46 = tpu.memref_slice %arg6[%scan3A_8, %dma_wait3A_44, %dma_wait3A_45] : memref<2x80x128xi32, #tpu.memory_space<vmem>> -> memref<1x80x128xi32, #tpu.memory_space<vmem>>
        %dma_wait3A_47 = tpu.memref_squeeze %dma_wait3A_46 : memref<1x80x128xi32, #tpu.memory_space<vmem>> -> memref<80x128xi32, #tpu.memory_space<vmem>>
        %dma_wait3A_48 = arith.constant 0 : i32
        %dma_wait3A_49 = tpu.memref_slice %dma_wait3A_47[%scan3A_15, %dma_wait3A_48] : memref<80x128xi32, #tpu.memory_space<vmem>> -> memref<1x128xi32, #tpu.memory_space<vmem>>
        %dma_wait3A_50 = tpu.memref_squeeze %dma_wait3A_49 : memref<1x128xi32, #tpu.memory_space<vmem>> -> memref<128xi32, #tpu.memory_space<vmem>>
        %dma_wait3A_51 = arith.constant 0 : i32
        %dma_wait3A_52 = arith.constant 0 : i32
        %dma_wait3A_53 = tpu.memref_slice %arg9[%dma_wait3A_51, %dma_wait3A_52] : memref<10112x128xf32, #tpu.memory_space<vmem_shared>> -> memref<10112x128xf32, #tpu.memory_space<vmem_shared>>
        tpu.wait_indirect_dma semaphore(%run_scoped3A : memref<!tpu.dma_semaphore, #tpu.memory_space<semaphore_mem>>) src(%arg7 : memref<128x128xf32, #tpu.memory_space<vmem>>) dst(%dma_wait3A_53 : memref<10112x128xf32, #tpu.memory_space<vmem_shared>>)
        tpu.yield
      }) : () -> ()
    }
    %scan3A_13 = arith.constant 80 : i32
    %barrier3A_14 = arith.constant 0 : index
    tpu.barrier barrier_id(%barrier3A_14)
    "tpu.region"() ({
      %run_scoped3A = tpu.sem_alloc : memref<!tpu.dma_semaphore, #tpu.memory_space<semaphore_mem>>
      %dma_start3A = arith.constant 0 : i32
      %dma_start3A_15 = arith.constant 0 : i32
      %dma_start3A_16 = tpu.memref_slice %arg5[%arg0, %dma_start3A, %dma_start3A_15] : memref<2x10112x128xf32, #tpu.memory_space<hbm>> -> memref<1x10112x128xf32, #tpu.memory_space<hbm>>
      %dma_start3A_17 = tpu.memref_squeeze %dma_start3A_16 : memref<1x10112x128xf32, #tpu.memory_space<hbm>> -> memref<10112x128xf32, #tpu.memory_space<hbm>>
      %dma_start3A_18 = arith.constant 0 : i32
      %dma_start3A_19 = tpu.memref_slice %dma_start3A_17[%mul3A_0, %dma_start3A_18] : memref<10112x128xf32, #tpu.memory_space<hbm>> -> memref<632x128xf32, #tpu.memory_space<hbm>>
      %dma_start3A_20 = arith.constant 0 : i32
      %dma_start3A_21 = tpu.memref_slice %arg9[%mul3A_0, %dma_start3A_20] : memref<10112x128xf32, #tpu.memory_space<vmem_shared>> -> memref<632x128xf32, #tpu.memory_space<vmem_shared>>
      tpu.enqueue_dma source(%dma_start3A_21 : memref<632x128xf32, #tpu.memory_space<vmem_shared>>) target(%dma_start3A_19 : memref<632x128xf32, #tpu.memory_space<hbm>>) target_semaphore(%run_scoped3A : memref<!tpu.dma_semaphore, #tpu.memory_space<semaphore_mem>>)
      %dma_wait3A = arith.constant 0 : i32
      %dma_wait3A_22 = arith.constant 0 : i32
      %dma_wait3A_23 = tpu.memref_slice %arg5[%arg0, %dma_wait3A, %dma_wait3A_22] : memref<2x10112x128xf32, #tpu.memory_space<hbm>> -> memref<1x10112x128xf32, #tpu.memory_space<hbm>>
      %dma_wait3A_24 = tpu.memref_squeeze %dma_wait3A_23 : memref<1x10112x128xf32, #tpu.memory_space<hbm>> -> memref<10112x128xf32, #tpu.memory_space<hbm>>
      %dma_wait3A_25 = arith.constant 0 : i32
      %dma_wait3A_26 = tpu.memref_slice %dma_wait3A_24[%mul3A_0, %dma_wait3A_25] : memref<10112x128xf32, #tpu.memory_space<hbm>> -> memref<632x128xf32, #tpu.memory_space<hbm>>
      %dma_wait3A_27 = arith.constant 0 : i32
      %dma_wait3A_28 = tpu.memref_slice %arg9[%mul3A_0, %dma_wait3A_27] : memref<10112x128xf32, #tpu.memory_space<vmem_shared>> -> memref<632x128xf32, #tpu.memory_space<vmem_shared>>
      tpu.wait_dma2 semaphore(%run_scoped3A : memref<!tpu.dma_semaphore, #tpu.memory_space<semaphore_mem>>) src(%dma_wait3A_28 : memref<632x128xf32, #tpu.memory_space<vmem_shared>>) dst(%dma_wait3A_26 : memref<632x128xf32, #tpu.memory_space<hbm>>)
      tpu.yield
    }) : () -> ()
    return
  }
}

#map = affine_map<(d0, d1) -> (0, 0)>
#map1 = affine_map<(d0, d1) -> (0, 0, 0)>
module attributes {stable_mosaic.version = 14 : i64} {
  func.func @_deg_body(%arg0: i32, %arg1: i32, %arg2: memref<32x10240xi32, #tpu.memory_space<hbm>>, %arg3: memref<32x10240xi32, #tpu.memory_space<hbm>>, %arg4: memref<79x128xf32, #tpu.memory_space<hbm>>, %arg5: memref<32x79x128xf32, #tpu.memory_space<hbm>>, %arg6: memref<32x79x128xf32, #tpu.memory_space<hbm>>, %arg7: memref<10240xi32, #tpu.memory_space<vmem>>, %arg8: memref<10240xi32, #tpu.memory_space<vmem>>, %arg9: memref<79x128xf32, #tpu.memory_space<vmem>>, %arg10: memref<79x128xf32, #tpu.memory_space<vmem>>) attributes {dimension_semantics = [#tpu.dimension_semantics<core_parallel>, #tpu.dimension_semantics<subcore_parallel>], iteration_bounds = array<i64: 2, 16>, scalar_prefetch = 0 : i64, scratch_operands = 4 : i64, tpu.core_type = #tpu.core_type<sc_vector_subcore>, window_params = [{transform_indices = #map}, {transform_indices = #map}, {transform_indices = #map}, {transform_indices = #map1}, {transform_indices = #map1}]} {
    %mul3A = arith.constant 16 : i32
    %mul3A_0 = arith.muli %arg0, %mul3A : i32
    %add3A = arith.addi %mul3A_0, %arg1 : i32
    "tpu.region"() ({
      %run_scoped3A = tpu.sem_alloc : memref<!tpu.dma_semaphore, #tpu.memory_space<semaphore_mem>>
      %dma_start3A = arith.constant 0 : i32
      %dma_start3A_7 = tpu.memref_slice %arg2[%add3A, %dma_start3A] : memref<32x10240xi32, #tpu.memory_space<hbm>> -> memref<1x10240xi32, #tpu.memory_space<hbm>>
      %dma_start3A_8 = tpu.memref_squeeze %dma_start3A_7 : memref<1x10240xi32, #tpu.memory_space<hbm>> -> memref<10240xi32, #tpu.memory_space<hbm>>
      %dma_start3A_9 = arith.constant 0 : i32
      %dma_start3A_10 = tpu.memref_slice %arg2[%add3A, %dma_start3A_9] : memref<32x10240xi32, #tpu.memory_space<hbm>> -> memref<1x10240xi32, #tpu.memory_space<hbm>>
      %dma_start3A_11 = tpu.memref_squeeze %dma_start3A_10 : memref<1x10240xi32, #tpu.memory_space<hbm>> -> memref<10240xi32, #tpu.memory_space<hbm>>
      tpu.enqueue_dma source(%dma_start3A_11 : memref<10240xi32, #tpu.memory_space<hbm>>) target(%arg7 : memref<10240xi32, #tpu.memory_space<vmem>>) target_semaphore(%run_scoped3A : memref<!tpu.dma_semaphore, #tpu.memory_space<semaphore_mem>>)
      %dma_wait3A = arith.constant 0 : i32
      %dma_wait3A_12 = tpu.memref_slice %arg2[%add3A, %dma_wait3A] : memref<32x10240xi32, #tpu.memory_space<hbm>> -> memref<1x10240xi32, #tpu.memory_space<hbm>>
      %dma_wait3A_13 = tpu.memref_squeeze %dma_wait3A_12 : memref<1x10240xi32, #tpu.memory_space<hbm>> -> memref<10240xi32, #tpu.memory_space<hbm>>
      %dma_wait3A_14 = arith.constant 0 : i32
      %dma_wait3A_15 = tpu.memref_slice %arg2[%add3A, %dma_wait3A_14] : memref<32x10240xi32, #tpu.memory_space<hbm>> -> memref<1x10240xi32, #tpu.memory_space<hbm>>
      %dma_wait3A_16 = tpu.memref_squeeze %dma_wait3A_15 : memref<1x10240xi32, #tpu.memory_space<hbm>> -> memref<10240xi32, #tpu.memory_space<hbm>>
      tpu.wait_dma2 semaphore(%run_scoped3A : memref<!tpu.dma_semaphore, #tpu.memory_space<semaphore_mem>>) src(%dma_wait3A_16 : memref<10240xi32, #tpu.memory_space<hbm>>) dst(%arg7 : memref<10240xi32, #tpu.memory_space<vmem>>)
      tpu.yield
    }) : () -> ()
    "tpu.region"() ({
      %run_scoped3A = tpu.sem_alloc : memref<!tpu.dma_semaphore, #tpu.memory_space<semaphore_mem>>
      %dma_start3A = arith.constant 0 : i32
      %dma_start3A_7 = tpu.memref_slice %arg3[%add3A, %dma_start3A] : memref<32x10240xi32, #tpu.memory_space<hbm>> -> memref<1x10240xi32, #tpu.memory_space<hbm>>
      %dma_start3A_8 = tpu.memref_squeeze %dma_start3A_7 : memref<1x10240xi32, #tpu.memory_space<hbm>> -> memref<10240xi32, #tpu.memory_space<hbm>>
      %dma_start3A_9 = arith.constant 0 : i32
      %dma_start3A_10 = tpu.memref_slice %arg3[%add3A, %dma_start3A_9] : memref<32x10240xi32, #tpu.memory_space<hbm>> -> memref<1x10240xi32, #tpu.memory_space<hbm>>
      %dma_start3A_11 = tpu.memref_squeeze %dma_start3A_10 : memref<1x10240xi32, #tpu.memory_space<hbm>> -> memref<10240xi32, #tpu.memory_space<hbm>>
      tpu.enqueue_dma source(%dma_start3A_11 : memref<10240xi32, #tpu.memory_space<hbm>>) target(%arg8 : memref<10240xi32, #tpu.memory_space<vmem>>) target_semaphore(%run_scoped3A : memref<!tpu.dma_semaphore, #tpu.memory_space<semaphore_mem>>)
      %dma_wait3A = arith.constant 0 : i32
      %dma_wait3A_12 = tpu.memref_slice %arg3[%add3A, %dma_wait3A] : memref<32x10240xi32, #tpu.memory_space<hbm>> -> memref<1x10240xi32, #tpu.memory_space<hbm>>
      %dma_wait3A_13 = tpu.memref_squeeze %dma_wait3A_12 : memref<1x10240xi32, #tpu.memory_space<hbm>> -> memref<10240xi32, #tpu.memory_space<hbm>>
      %dma_wait3A_14 = arith.constant 0 : i32
      %dma_wait3A_15 = tpu.memref_slice %arg3[%add3A, %dma_wait3A_14] : memref<32x10240xi32, #tpu.memory_space<hbm>> -> memref<1x10240xi32, #tpu.memory_space<hbm>>
      %dma_wait3A_16 = tpu.memref_squeeze %dma_wait3A_15 : memref<1x10240xi32, #tpu.memory_space<hbm>> -> memref<10240xi32, #tpu.memory_space<hbm>>
      tpu.wait_dma2 semaphore(%run_scoped3A : memref<!tpu.dma_semaphore, #tpu.memory_space<semaphore_mem>>) src(%dma_wait3A_16 : memref<10240xi32, #tpu.memory_space<hbm>>) dst(%arg8 : memref<10240xi32, #tpu.memory_space<vmem>>)
      tpu.yield
    }) : () -> ()
    "tpu.region"() ({
      %run_scoped3A = tpu.sem_alloc : memref<!tpu.dma_semaphore, #tpu.memory_space<semaphore_mem>>
      tpu.enqueue_dma source(%arg4 : memref<79x128xf32, #tpu.memory_space<hbm>>) target(%arg9 : memref<79x128xf32, #tpu.memory_space<vmem>>) target_semaphore(%run_scoped3A : memref<!tpu.dma_semaphore, #tpu.memory_space<semaphore_mem>>)
      tpu.wait_dma2 semaphore(%run_scoped3A : memref<!tpu.dma_semaphore, #tpu.memory_space<semaphore_mem>>) src(%arg4 : memref<79x128xf32, #tpu.memory_space<hbm>>) dst(%arg9 : memref<79x128xf32, #tpu.memory_space<vmem>>)
      tpu.yield
    }) : () -> ()
    "tpu.region"() ({
      %run_scoped3A = tpu.sem_alloc : memref<!tpu.dma_semaphore, #tpu.memory_space<semaphore_mem>>
      tpu.enqueue_dma source(%arg4 : memref<79x128xf32, #tpu.memory_space<hbm>>) target(%arg10 : memref<79x128xf32, #tpu.memory_space<vmem>>) target_semaphore(%run_scoped3A : memref<!tpu.dma_semaphore, #tpu.memory_space<semaphore_mem>>)
      tpu.wait_dma2 semaphore(%run_scoped3A : memref<!tpu.dma_semaphore, #tpu.memory_space<semaphore_mem>>) src(%arg4 : memref<79x128xf32, #tpu.memory_space<hbm>>) dst(%arg10 : memref<79x128xf32, #tpu.memory_space<vmem>>)
      tpu.yield
    }) : () -> ()
    %broadcast_in_dim3A = arith.constant 1.000000e+00 : f32
    %broadcast_in_dim3A_1 = vector.broadcast %broadcast_in_dim3A : f32 to vector<16xf32>
    %scan3A = arith.constant 0 : i32
    %scan3A_2 = arith.constant 0 : i32
    %scan3A_3 = arith.constant 640 : i32
    %scan3A_4 = arith.addi %scan3A_2, %scan3A_3 : i32
    %scan3A_5 = arith.constant 1 : i32
    scf.for %scan3A_7 = %scan3A_2 to %scan3A_4 step %scan3A_5  : i32 {
      %mul3A_8 = arith.constant 16 : i32
      %mul3A_9 = arith.muli %scan3A_7, %mul3A_8 : i32
      %get3A = arith.index_cast %mul3A_9 : i32 to index
      %get3A_10 = tpu.vector_load %arg7[%get3A] {strides = array<i32>} : memref<10240xi32, #tpu.memory_space<vmem>>, vector<16xi32>,
      %shift_right_logical3A = arith.constant 7 : i32
      %shift_right_logical3A_11 = vector.broadcast %shift_right_logical3A : i32 to vector<16xi32>
      %shift_right_logical3A_12 = arith.shrui %get3A_10, %shift_right_logical3A_11 : vector<16xi32>
      %and3A = arith.constant 127 : i32
      %and3A_13 = vector.broadcast %and3A : i32 to vector<16xi32>
      %and3A_14 = arith.andi %get3A_10, %and3A_13 : vector<16xi32>
      tpu.vector_store_idx %arg9[%shift_right_logical3A_12, %and3A_14], %broadcast_in_dim3A_1 {add = true} : memref<79x128xf32, #tpu.memory_space<vmem>>[vector<16xi32>, vector<16xi32>], vector<16xf32>,
      %mul3A_15 = arith.constant 16 : i32
      %mul3A_16 = arith.muli %scan3A_7, %mul3A_15 : i32
      %get3A_17 = arith.index_cast %mul3A_16 : i32 to index
      %get3A_18 = tpu.vector_load %arg8[%get3A_17] {strides = array<i32>} : memref<10240xi32, #tpu.memory_space<vmem>>, vector<16xi32>,
      %shift_right_logical3A_19 = arith.constant 7 : i32
      %shift_right_logical3A_20 = vector.broadcast %shift_right_logical3A_19 : i32 to vector<16xi32>
      %shift_right_logical3A_21 = arith.shrui %get3A_18, %shift_right_logical3A_20 : vector<16xi32>
      %and3A_22 = arith.constant 127 : i32
      %and3A_23 = vector.broadcast %and3A_22 : i32 to vector<16xi32>
      %and3A_24 = arith.andi %get3A_18, %and3A_23 : vector<16xi32>
      tpu.vector_store_idx %arg10[%shift_right_logical3A_21, %and3A_24], %broadcast_in_dim3A_1 {add = true} : memref<79x128xf32, #tpu.memory_space<vmem>>[vector<16xi32>, vector<16xi32>], vector<16xf32>,
    }
    %scan3A_6 = arith.constant 640 : i32
    "tpu.region"() ({
      %run_scoped3A = tpu.sem_alloc : memref<!tpu.dma_semaphore, #tpu.memory_space<semaphore_mem>>
      %dma_start3A = arith.constant 0 : i32
      %dma_start3A_7 = arith.constant 0 : i32
      %dma_start3A_8 = tpu.memref_slice %arg5[%add3A, %dma_start3A, %dma_start3A_7] : memref<32x79x128xf32, #tpu.memory_space<hbm>> -> memref<1x79x128xf32, #tpu.memory_space<hbm>>
      %dma_start3A_9 = tpu.memref_squeeze %dma_start3A_8 : memref<1x79x128xf32, #tpu.memory_space<hbm>> -> memref<79x128xf32, #tpu.memory_space<hbm>>
      %dma_start3A_10 = arith.constant 0 : i32
      %dma_start3A_11 = arith.constant 0 : i32
      %dma_start3A_12 = tpu.memref_slice %arg5[%add3A, %dma_start3A_10, %dma_start3A_11] : memref<32x79x128xf32, #tpu.memory_space<hbm>> -> memref<1x79x128xf32, #tpu.memory_space<hbm>>
      %dma_start3A_13 = tpu.memref_squeeze %dma_start3A_12 : memref<1x79x128xf32, #tpu.memory_space<hbm>> -> memref<79x128xf32, #tpu.memory_space<hbm>>
      tpu.enqueue_dma source(%arg9 : memref<79x128xf32, #tpu.memory_space<vmem>>) target(%dma_start3A_13 : memref<79x128xf32, #tpu.memory_space<hbm>>) target_semaphore(%run_scoped3A : memref<!tpu.dma_semaphore, #tpu.memory_space<semaphore_mem>>)
      %dma_wait3A = arith.constant 0 : i32
      %dma_wait3A_14 = arith.constant 0 : i32
      %dma_wait3A_15 = tpu.memref_slice %arg5[%add3A, %dma_wait3A, %dma_wait3A_14] : memref<32x79x128xf32, #tpu.memory_space<hbm>> -> memref<1x79x128xf32, #tpu.memory_space<hbm>>
      %dma_wait3A_16 = tpu.memref_squeeze %dma_wait3A_15 : memref<1x79x128xf32, #tpu.memory_space<hbm>> -> memref<79x128xf32, #tpu.memory_space<hbm>>
      %dma_wait3A_17 = arith.constant 0 : i32
      %dma_wait3A_18 = arith.constant 0 : i32
      %dma_wait3A_19 = tpu.memref_slice %arg5[%add3A, %dma_wait3A_17, %dma_wait3A_18] : memref<32x79x128xf32, #tpu.memory_space<hbm>> -> memref<1x79x128xf32, #tpu.memory_space<hbm>>
      %dma_wait3A_20 = tpu.memref_squeeze %dma_wait3A_19 : memref<1x79x128xf32, #tpu.memory_space<hbm>> -> memref<79x128xf32, #tpu.memory_space<hbm>>
      tpu.wait_dma2 semaphore(%run_scoped3A : memref<!tpu.dma_semaphore, #tpu.memory_space<semaphore_mem>>) src(%arg9 : memref<79x128xf32, #tpu.memory_space<vmem>>) dst(%dma_wait3A_20 : memref<79x128xf32, #tpu.memory_space<hbm>>)
      tpu.yield
    }) : () -> ()
    "tpu.region"() ({
      %run_scoped3A = tpu.sem_alloc : memref<!tpu.dma_semaphore, #tpu.memory_space<semaphore_mem>>
      %dma_start3A = arith.constant 0 : i32
      %dma_start3A_7 = arith.constant 0 : i32
      %dma_start3A_8 = tpu.memref_slice %arg6[%add3A, %dma_start3A, %dma_start3A_7] : memref<32x79x128xf32, #tpu.memory_space<hbm>> -> memref<1x79x128xf32, #tpu.memory_space<hbm>>
      %dma_start3A_9 = tpu.memref_squeeze %dma_start3A_8 : memref<1x79x128xf32, #tpu.memory_space<hbm>> -> memref<79x128xf32, #tpu.memory_space<hbm>>
      %dma_start3A_10 = arith.constant 0 : i32
      %dma_start3A_11 = arith.constant 0 : i32
      %dma_start3A_12 = tpu.memref_slice %arg6[%add3A, %dma_start3A_10, %dma_start3A_11] : memref<32x79x128xf32, #tpu.memory_space<hbm>> -> memref<1x79x128xf32, #tpu.memory_space<hbm>>
      %dma_start3A_13 = tpu.memref_squeeze %dma_start3A_12 : memref<1x79x128xf32, #tpu.memory_space<hbm>> -> memref<79x128xf32, #tpu.memory_space<hbm>>
      tpu.enqueue_dma source(%arg10 : memref<79x128xf32, #tpu.memory_space<vmem>>) target(%dma_start3A_13 : memref<79x128xf32, #tpu.memory_space<hbm>>) target_semaphore(%run_scoped3A : memref<!tpu.dma_semaphore, #tpu.memory_space<semaphore_mem>>)
      %dma_wait3A = arith.constant 0 : i32
      %dma_wait3A_14 = arith.constant 0 : i32
      %dma_wait3A_15 = tpu.memref_slice %arg6[%add3A, %dma_wait3A, %dma_wait3A_14] : memref<32x79x128xf32, #tpu.memory_space<hbm>> -> memref<1x79x128xf32, #tpu.memory_space<hbm>>
      %dma_wait3A_16 = tpu.memref_squeeze %dma_wait3A_15 : memref<1x79x128xf32, #tpu.memory_space<hbm>> -> memref<79x128xf32, #tpu.memory_space<hbm>>
      %dma_wait3A_17 = arith.constant 0 : i32
      %dma_wait3A_18 = arith.constant 0 : i32
      %dma_wait3A_19 = tpu.memref_slice %arg6[%add3A, %dma_wait3A_17, %dma_wait3A_18] : memref<32x79x128xf32, #tpu.memory_space<hbm>> -> memref<1x79x128xf32, #tpu.memory_space<hbm>>
      %dma_wait3A_20 = tpu.memref_squeeze %dma_wait3A_19 : memref<1x79x128xf32, #tpu.memory_space<hbm>> -> memref<79x128xf32, #tpu.memory_space<hbm>>
      tpu.wait_dma2 semaphore(%run_scoped3A : memref<!tpu.dma_semaphore, #tpu.memory_space<semaphore_mem>>) src(%arg10 : memref<79x128xf32, #tpu.memory_space<vmem>>) dst(%dma_wait3A_20 : memref<79x128xf32, #tpu.memory_space<hbm>>)
      tpu.yield
    }) : () -> ()
    return
  }
}

module attributes {stable_mosaic.version = 14 : i64} {
  func.func @_scale_body(%arg0: i32, %arg1: memref<128x128xf32, #tpu.memory_space<vmem>>, %arg2: memref<32x79x128xf32, #tpu.memory_space<vmem>>, %arg3: memref<128x128xf32, #tpu.memory_space<vmem>>) attributes {dimension_semantics = [#tpu.dimension_semantics<arbitrary>], iteration_bounds = array<i64: 79>, scalar_prefetch = 0 : i64, scratch_operands = 0 : i64, tpu.core_type = #tpu.core_type<tc>, window_params = [{transform_indices = @transform_0, window_bounds = array<i64: 128, 128>}, {pipeline_mode = #tpu.pipeline_mode<synchronous>, transform_indices = @transform_1, window_bounds = array<i64: 32, 79, 128>}, {transform_indices = @transform_2, window_bounds = array<i64: 128, 128>}]} {
    %get3A = arith.constant 0 : index
    %get3A_0 = arith.constant 0 : index
    %get3A_1 = vector.load %arg1[%get3A, %get3A_0] : memref<128x128xf32, #tpu.memory_space<vmem>>, vector<128x128xf32>
    %get3A_2 = arith.constant 0 : index
    %get3A_3 = arith.index_cast %arg0 : i32 to index
    %get3A_4 = arith.constant 0 : index
    %get3A_5 = vector.load %arg2[%get3A_2, %get3A_3, %get3A_4] : memref<32x79x128xf32, #tpu.memory_space<vmem>>, vector<32x1x128xf32>
    %reduce_sum3A = arith.constant dense<0.000000e+00> : vector<1x128xf32>
    %reduce_sum3A_6 = vector.multi_reduction <add>, %get3A_5, %reduce_sum3A [0] : vector<32x1x128xf32> to vector<1x128xf32>
    %iota3A = tpu.iota {dimensions = array<i32: 0>} : vector<128x128xi32>
    %iota3A_7 = tpu.iota {dimensions = array<i32: 1>} : vector<128x128xi32>
    %eq3A = arith.cmpi eq, %iota3A_7, %iota3A : vector<128x128xi32>
    %broadcast_in_dim3A = vector.shape_cast %reduce_sum3A_6 : vector<1x128xf32> to vector<1x128xf32>
    %broadcast_in_dim3A_8 = vector.broadcast %broadcast_in_dim3A : vector<1x128xf32> to vector<128x128xf32>
    %jit3A = arith.constant 0.000000e+00 : f32
    %broadcast_in_dim3A_9 = vector.broadcast %jit3A : f32 to vector<128x128xf32>
    %select_n3A = arith.select %eq3A, %broadcast_in_dim3A_8, %broadcast_in_dim3A_9 : vector<128x128xi1>, vector<128x128xf32>
    %reduce_sum3A_10 = arith.constant dense<0.000000e+00> : vector<128xf32>
    %reduce_sum3A_11 = vector.multi_reduction <add>, %select_n3A, %reduce_sum3A_10 [1] : vector<128x128xf32> to vector<128xf32>
    %broadcast_in_dim3A_12 = vector.shape_cast %reduce_sum3A_11 : vector<128xf32> to vector<128x1xf32>
    %max3A = arith.constant 1.000000e+00 : f32
    %max3A_13 = vector.broadcast %max3A : f32 to vector<128x1xf32>
    %max3A_14 = arith.maximumf %broadcast_in_dim3A_12, %max3A_13 : vector<128x1xf32>
    %sqrt3A = math.sqrt %max3A_14 : vector<128x1xf32>
    %div3A = arith.constant 1.000000e+00 : f32
    %div3A_15 = vector.broadcast %div3A : f32 to vector<128x1xf32>
    %div3A_16 = arith.divf %div3A_15, %sqrt3A : vector<128x1xf32>
    %mul3A = vector.broadcast %div3A_16 : vector<128x1xf32> to vector<128x128xf32>
    %mul3A_17 = arith.mulf %get3A_1, %mul3A : vector<128x128xf32>
    %swap3A = arith.constant 0 : index
    %swap3A_18 = arith.constant 0 : index
    %swap3A_19 = vector.load %arg3[%swap3A, %swap3A_18] : memref<128x128xf32, #tpu.memory_space<vmem>>, vector<128x128xf32>
    tpu.vector_store %arg3[%swap3A, %swap3A_18], %mul3A_17 {strides = array<i32>} : memref<128x128xf32, #tpu.memory_space<vmem>>, vector<128x128xf32>,
    return
  }
  func.func @transform_0(%arg0: i32) -> (i32, i32) {
    %c0_i32 = arith.constant 0 : i32
    %c0_i32_0 = arith.constant 0 : i32
    return %arg0, %c0_i32 : i32, i32
  }
  func.func @transform_1(%arg0: i32) -> (i32, i32, i32) {
    %c0_i32 = arith.constant 0 : i32
    %c0_i32_0 = arith.constant 0 : i32
    %c0_i32_1 = arith.constant 0 : i32
    %c0_i32_2 = arith.constant 0 : i32
    return %c0_i32, %c0_i32_0, %c0_i32_1 : i32, i32, i32
  }
  func.func @transform_2(%arg0: i32) -> (i32, i32) {
    %c0_i32 = arith.constant 0 : i32
    %c0_i32_0 = arith.constant 0 : i32
    return %arg0, %c0_i32 : i32, i32
  }
}

module attributes {stable_mosaic.version = 14 : i64} {
  func.func @_bn_body(%arg0: i32, %arg1: memref<1000x128xf32, #tpu.memory_space<vmem>>, %arg2: memref<2x128xf32, #tpu.memory_space<vmem>>, %arg3: memref<1x128xf32, #tpu.memory_space<vmem>>, %arg4: memref<1x128xf32, #tpu.memory_space<vmem>>, %arg5: memref<1000x128xf32, #tpu.memory_space<vmem>>, %arg6: memref<1000x128xf32, #tpu.memory_space<vmem>>) attributes {dimension_semantics = [#tpu.dimension_semantics<arbitrary>], iteration_bounds = array<i64: 10>, scalar_prefetch = 0 : i64, scratch_operands = 0 : i64, tpu.core_type = #tpu.core_type<tc>, window_params = [{transform_indices = @transform_0, window_bounds = array<i64: 1000, 128>}, {pipeline_mode = #tpu.pipeline_mode<synchronous>, transform_indices = @transform_1, window_bounds = array<i64: 2, 128>}, {pipeline_mode = #tpu.pipeline_mode<synchronous>, transform_indices = @transform_2, window_bounds = array<i64: 1, 128>}, {pipeline_mode = #tpu.pipeline_mode<synchronous>, transform_indices = @transform_3, window_bounds = array<i64: 1, 128>}, {transform_indices = @transform_4, window_bounds = array<i64: 1000, 128>}, {transform_indices = @transform_5, window_bounds = array<i64: 1000, 128>}]} {
    %get3A = arith.constant 0 : index
    %get3A_0 = arith.constant 0 : index
    %get3A_1 = vector.load %arg2[%get3A, %get3A_0] : memref<2x128xf32, #tpu.memory_space<vmem>>, vector<1x128xf32>
    %mul3A = arith.constant 9.99999974E-5 : f32
    %mul3A_2 = vector.broadcast %mul3A : f32 to vector<1x128xf32>
    %mul3A_3 = arith.mulf %get3A_1, %mul3A_2 : vector<1x128xf32>
    %get3A_4 = arith.constant 1 : index
    %get3A_5 = arith.constant 0 : index
    %get3A_6 = vector.load %arg2[%get3A_4, %get3A_5] : memref<2x128xf32, #tpu.memory_space<vmem>>, vector<1x128xf32>
    %mul3A_7 = arith.constant 9.99999974E-5 : f32
    %mul3A_8 = vector.broadcast %mul3A_7 : f32 to vector<1x128xf32>
    %mul3A_9 = arith.mulf %get3A_6, %mul3A_8 : vector<1x128xf32>
    %mul3A_10 = arith.mulf %mul3A_3, %mul3A_3 : vector<1x128xf32>
    %sub3A = arith.subf %mul3A_9, %mul3A_10 : vector<1x128xf32>
    %add3A = arith.constant 9.99999974E-6 : f32
    %add3A_11 = vector.broadcast %add3A : f32 to vector<1x128xf32>
    %add3A_12 = arith.addf %sub3A, %add3A_11 : vector<1x128xf32>
    %sqrt3A = math.sqrt %add3A_12 : vector<1x128xf32>
    %div3A = arith.constant 1.000000e+00 : f32
    %div3A_13 = vector.broadcast %div3A : f32 to vector<1x128xf32>
    %div3A_14 = arith.divf %div3A_13, %sqrt3A : vector<1x128xf32>
    %get3A_15 = arith.constant 0 : index
    %get3A_16 = arith.constant 0 : index
    %get3A_17 = vector.load %arg1[%get3A_15, %get3A_16] : memref<1000x128xf32, #tpu.memory_space<vmem>>, vector<1000x128xf32>
    %sub3A_18 = vector.broadcast %mul3A_3 : vector<1x128xf32> to vector<1000x128xf32>
    %sub3A_19 = arith.subf %get3A_17, %sub3A_18 : vector<1000x128xf32>
    %get3A_20 = arith.constant 0 : index
    %get3A_21 = arith.constant 0 : index
    %get3A_22 = vector.load %arg3[%get3A_20, %get3A_21] : memref<1x128xf32, #tpu.memory_space<vmem>>, vector<1x128xf32>
    %mul3A_23 = arith.mulf %div3A_14, %get3A_22 : vector<1x128xf32>
    %mul3A_24 = vector.broadcast %mul3A_23 : vector<1x128xf32> to vector<1000x128xf32>
    %mul3A_25 = arith.mulf %sub3A_19, %mul3A_24 : vector<1000x128xf32>
    %get3A_26 = arith.constant 0 : index
    %get3A_27 = arith.constant 0 : index
    %get3A_28 = vector.load %arg4[%get3A_26, %get3A_27] : memref<1x128xf32, #tpu.memory_space<vmem>>, vector<1x128xf32>
    %add3A_29 = vector.broadcast %get3A_28 : vector<1x128xf32> to vector<1000x128xf32>
    %add3A_30 = arith.addf %mul3A_25, %add3A_29 : vector<1000x128xf32>
    %get3A_31 = arith.constant 0 : index
    %get3A_32 = arith.constant 0 : index
    %get3A_33 = vector.load %arg5[%get3A_31, %get3A_32] : memref<1000x128xf32, #tpu.memory_space<vmem>>, vector<1000x128xf32>
    %max3A = arith.constant 0.000000e+00 : f32
    %max3A_34 = vector.broadcast %max3A : f32 to vector<1000x128xf32>
    %max3A_35 = arith.maximumf %add3A_30, %max3A_34 : vector<1000x128xf32>
    %add3A_36 = arith.addf %get3A_33, %max3A_35 : vector<1000x128xf32>
    %swap3A = arith.constant 0 : index
    %swap3A_37 = arith.constant 0 : index
    %swap3A_38 = vector.load %arg6[%swap3A, %swap3A_37] : memref<1000x128xf32, #tpu.memory_space<vmem>>, vector<1000x128xf32>
    tpu.vector_store %arg6[%swap3A, %swap3A_37], %add3A_36 {strides = array<i32>} : memref<1000x128xf32, #tpu.memory_space<vmem>>, vector<1000x128xf32>,
    return
  }
  func.func @transform_0(%arg0: i32) -> (i32, i32) {
    %c0_i32 = arith.constant 0 : i32
    %c0_i32_0 = arith.constant 0 : i32
    return %arg0, %c0_i32 : i32, i32
  }
  func.func @transform_1(%arg0: i32) -> (i32, i32) {
    %c0_i32 = arith.constant 0 : i32
    %c0_i32_0 = arith.constant 0 : i32
    %c0_i32_1 = arith.constant 0 : i32
    return %c0_i32, %c0_i32_0 : i32, i32
  }
  func.func @transform_2(%arg0: i32) -> (i32, i32) {
    %c0_i32 = arith.constant 0 : i32
    %c0_i32_0 = arith.constant 0 : i32
    %c0_i32_1 = arith.constant 0 : i32
    return %c0_i32, %c0_i32_0 : i32, i32
  }
  func.func @transform_3(%arg0: i32) -> (i32, i32) {
    %c0_i32 = arith.constant 0 : i32
    %c0_i32_0 = arith.constant 0 : i32
    %c0_i32_1 = arith.constant 0 : i32
    return %c0_i32, %c0_i32_0 : i32, i32
  }
  func.func @transform_4(%arg0: i32) -> (i32, i32) {
    %c0_i32 = arith.constant 0 : i32
    %c0_i32_0 = arith.constant 0 : i32
    return %arg0, %c0_i32 : i32, i32
  }
  func.func @transform_5(%arg0: i32) -> (i32, i32) {
    %c0_i32 = arith.constant 0 : i32
    %c0_i32_0 = arith.constant 0 : i32
    return %arg0, %c0_i32 : i32, i32
  }
}

module attributes {stable_mosaic.version = 14 : i64} {
  func.func @_proj_body(%arg0: i32, %arg1: memref<2x128x128xf32, #tpu.memory_space<vmem>>, %arg2: memref<32x79x128xf32, #tpu.memory_space<vmem>>, %arg3: memref<128x128xf32, #tpu.memory_space<vmem>>, %arg4: memref<1x128xf32, #tpu.memory_space<vmem>>, %arg5: memref<128x128xf32, #tpu.memory_space<vmem>>, %arg6: memref<2x128xf32, #tpu.memory_space<vmem>>) attributes {dimension_semantics = [#tpu.dimension_semantics<arbitrary>], iteration_bounds = array<i64: 79>, scalar_prefetch = 0 : i64, scratch_operands = 0 : i64, tpu.core_type = #tpu.core_type<tc>, window_params = [{transform_indices = @transform_0, window_bounds = array<i64: 2, 128, 128>}, {pipeline_mode = #tpu.pipeline_mode<synchronous>, transform_indices = @transform_1, window_bounds = array<i64: 32, 79, 128>}, {pipeline_mode = #tpu.pipeline_mode<synchronous>, transform_indices = @transform_2, window_bounds = array<i64: 128, 128>}, {pipeline_mode = #tpu.pipeline_mode<synchronous>, transform_indices = @transform_3, window_bounds = array<i64: 1, 128>}, {transform_indices = @transform_4, window_bounds = array<i64: 128, 128>}, {pipeline_mode = #tpu.pipeline_mode<synchronous>, transform_indices = @transform_5, window_bounds = array<i64: 2, 128>}]} {
    %get3A = arith.constant 0 : index
    %get3A_0 = arith.index_cast %arg0 : i32 to index
    %get3A_1 = arith.constant 0 : index
    %get3A_2 = vector.load %arg2[%get3A, %get3A_0, %get3A_1] : memref<32x79x128xf32, #tpu.memory_space<vmem>>, vector<32x1x128xf32>
    %reduce_sum3A = arith.constant dense<0.000000e+00> : vector<1x128xf32>
    %reduce_sum3A_3 = vector.multi_reduction <add>, %get3A_2, %reduce_sum3A [0] : vector<32x1x128xf32> to vector<1x128xf32>
    %iota3A = tpu.iota {dimensions = array<i32: 0>} : vector<128x128xi32>
    %iota3A_4 = tpu.iota {dimensions = array<i32: 1>} : vector<128x128xi32>
    %eq3A = arith.cmpi eq, %iota3A_4, %iota3A : vector<128x128xi32>
    %broadcast_in_dim3A = vector.shape_cast %reduce_sum3A_3 : vector<1x128xf32> to vector<1x128xf32>
    %broadcast_in_dim3A_5 = vector.broadcast %broadcast_in_dim3A : vector<1x128xf32> to vector<128x128xf32>
    %jit3A = arith.constant 0.000000e+00 : f32
    %broadcast_in_dim3A_6 = vector.broadcast %jit3A : f32 to vector<128x128xf32>
    %select_n3A = arith.select %eq3A, %broadcast_in_dim3A_5, %broadcast_in_dim3A_6 : vector<128x128xi1>, vector<128x128xf32>
    %reduce_sum3A_7 = arith.constant dense<0.000000e+00> : vector<128xf32>
    %reduce_sum3A_8 = vector.multi_reduction <add>, %select_n3A, %reduce_sum3A_7 [1] : vector<128x128xf32> to vector<128xf32>
    %broadcast_in_dim3A_9 = vector.shape_cast %reduce_sum3A_8 : vector<128xf32> to vector<128x1xf32>
    %max3A = arith.constant 1.000000e+00 : f32
    %max3A_10 = vector.broadcast %max3A : f32 to vector<128x1xf32>
    %max3A_11 = arith.maximumf %broadcast_in_dim3A_9, %max3A_10 : vector<128x1xf32>
    %sqrt3A = math.sqrt %max3A_11 : vector<128x1xf32>
    %div3A = arith.constant 1.000000e+00 : f32
    %div3A_12 = vector.broadcast %div3A : f32 to vector<128x1xf32>
    %div3A_13 = arith.divf %div3A_12, %sqrt3A : vector<128x1xf32>
    %get3A_14 = arith.constant 0 : index
    %get3A_15 = arith.constant 0 : index
    %get3A_16 = arith.constant 0 : index
    %get3A_17 = vector.load %arg1[%get3A_14, %get3A_15, %get3A_16] : memref<2x128x128xf32, #tpu.memory_space<vmem>>, vector<1x128x128xf32>
    %get3A_18 = vector.shape_cast %get3A_17 : vector<1x128x128xf32> to vector<128x128xf32>
    %get3A_19 = arith.constant 1 : index
    %get3A_20 = arith.constant 0 : index
    %get3A_21 = arith.constant 0 : index
    %get3A_22 = vector.load %arg1[%get3A_19, %get3A_20, %get3A_21] : memref<2x128x128xf32, #tpu.memory_space<vmem>>, vector<1x128x128xf32>
    %get3A_23 = vector.shape_cast %get3A_22 : vector<1x128x128xf32> to vector<128x128xf32>
    %add3A = arith.addf %get3A_18, %get3A_23 : vector<128x128xf32>
    %mul3A = vector.broadcast %div3A_13 : vector<128x1xf32> to vector<128x128xf32>
    %mul3A_24 = arith.mulf %add3A, %mul3A : vector<128x128xf32>
    %get3A_25 = arith.constant 0 : index
    %get3A_26 = arith.constant 0 : index
    %get3A_27 = vector.load %arg3[%get3A_25, %get3A_26] : memref<128x128xf32, #tpu.memory_space<vmem>>, vector<128x128xf32>
    %dot_general3A = arith.constant dense<0.000000e+00> : vector<128x128xf32>
    %dot_general3A_28 = tpu.matmul %mul3A_24, %get3A_27, %dot_general3A {dimension_numbers = #tpu.dot_dimension_numbers<[1], [0], [0], [1], [0, 0, 1, 1], [], []>, transpose_lhs_hint = false} : vector<128x128xf32>, vector<128x128xf32>, vector<128x128xf32> -> vector<128x128xf32>
    %get3A_29 = arith.constant 0 : index
    %get3A_30 = arith.constant 0 : index
    %get3A_31 = vector.load %arg4[%get3A_29, %get3A_30] : memref<1x128xf32, #tpu.memory_space<vmem>>, vector<1x128xf32>
    %add3A_32 = vector.broadcast %get3A_31 : vector<1x128xf32> to vector<128x128xf32>
    %add3A_33 = arith.addf %dot_general3A_28, %add3A_32 : vector<128x128xf32>
    %swap3A = arith.constant 0 : index
    %swap3A_34 = arith.constant 0 : index
    %swap3A_35 = vector.load %arg5[%swap3A, %swap3A_34] : memref<128x128xf32, #tpu.memory_space<vmem>>, vector<128x128xf32>
    tpu.vector_store %arg5[%swap3A, %swap3A_34], %add3A_33 {strides = array<i32>} : memref<128x128xf32, #tpu.memory_space<vmem>>, vector<128x128xf32>,
    %mul3A_36 = arith.constant 128 : i32
    %mul3A_37 = arith.muli %arg0, %mul3A_36 : i32
    %iota3A_38 = tpu.iota {dimensions = array<i32: 0>} : vector<128x1xi32>
    %add3A_39 = vector.broadcast %mul3A_37 : i32 to vector<128x1xi32>
    %add3A_40 = arith.addi %add3A_39, %iota3A_38 : vector<128x1xi32>
    %lt3A = arith.constant 10000 : i32
    %lt3A_41 = vector.broadcast %lt3A : i32 to vector<128x1xi32>
    %lt3A_42 = arith.cmpi slt, %add3A_40, %lt3A_41 : vector<128x1xi32>
    %convert_element_type3A = arith.extui %lt3A_42 : vector<128x1xi1> to vector<128x1xi32>
    %convert_element_type3A_43 = arith.sitofp %convert_element_type3A : vector<128x1xi32> to vector<128x1xf32>
    %mul3A_44 = vector.broadcast %convert_element_type3A_43 : vector<128x1xf32> to vector<128x128xf32>
    %mul3A_45 = arith.mulf %add3A_33, %mul3A_44 : vector<128x128xf32>
    %eq3A_46 = arith.constant 0 : i32
    %eq3A_47 = arith.cmpi eq, %arg0, %eq3A_46 : i32
    %convert_element_type3A_48 = arith.extui %eq3A_47 : i1 to i32
    %cond3A = arith.constant 0 : i32
    %cond3A_49 = arith.cmpi ne, %convert_element_type3A_48, %cond3A : i32
    scf.if %cond3A_49 {
      %broadcast_in_dim3A_71 = arith.constant 0.000000e+00 : f32
      %broadcast_in_dim3A_72 = vector.broadcast %broadcast_in_dim3A_71 : f32 to vector<2x128xf32>
      %swap3A_73 = arith.constant 0 : index
      %swap3A_74 = arith.constant 0 : index
      %swap3A_75 = vector.load %arg6[%swap3A_73, %swap3A_74] : memref<2x128xf32, #tpu.memory_space<vmem>>, vector<2x128xf32>
      tpu.vector_store %arg6[%swap3A_73, %swap3A_74], %broadcast_in_dim3A_72 {strides = array<i32>} : memref<2x128xf32, #tpu.memory_space<vmem>>, vector<2x128xf32>,
    } else {
    }
    %get3A_50 = arith.constant 0 : index
    %get3A_51 = arith.constant 0 : index
    %get3A_52 = vector.load %arg6[%get3A_50, %get3A_51] : memref<2x128xf32, #tpu.memory_space<vmem>>, vector<1x128xf32>
    %reduce_sum3A_53 = arith.constant dense<0.000000e+00> : vector<128xf32>
    %reduce_sum3A_54 = vector.multi_reduction <add>, %mul3A_45, %reduce_sum3A_53 [0] : vector<128x128xf32> to vector<128xf32>
    %broadcast_in_dim3A_55 = vector.shape_cast %reduce_sum3A_54 : vector<128xf32> to vector<1x128xf32>
    %add3A_56 = arith.addf %get3A_52, %broadcast_in_dim3A_55 : vector<1x128xf32>
    %swap3A_57 = arith.constant 0 : index
    %swap3A_58 = arith.constant 0 : index
    %swap3A_59 = vector.load %arg6[%swap3A_57, %swap3A_58] : memref<2x128xf32, #tpu.memory_space<vmem>>, vector<1x128xf32>
    tpu.vector_store %arg6[%swap3A_57, %swap3A_58], %add3A_56 {strides = array<i32>} : memref<2x128xf32, #tpu.memory_space<vmem>>, vector<1x128xf32>,
    %get3A_60 = arith.constant 1 : index
    %get3A_61 = arith.constant 0 : index
    %get3A_62 = vector.load %arg6[%get3A_60, %get3A_61] : memref<2x128xf32, #tpu.memory_space<vmem>>, vector<1x128xf32>
    %mul3A_63 = arith.mulf %mul3A_45, %mul3A_45 : vector<128x128xf32>
    %reduce_sum3A_64 = arith.constant dense<0.000000e+00> : vector<128xf32>
    %reduce_sum3A_65 = vector.multi_reduction <add>, %mul3A_63, %reduce_sum3A_64 [0] : vector<128x128xf32> to vector<128xf32>
    %broadcast_in_dim3A_66 = vector.shape_cast %reduce_sum3A_65 : vector<128xf32> to vector<1x128xf32>
    %add3A_67 = arith.addf %get3A_62, %broadcast_in_dim3A_66 : vector<1x128xf32>
    %swap3A_68 = arith.constant 1 : index
    %swap3A_69 = arith.constant 0 : index
    %swap3A_70 = vector.load %arg6[%swap3A_68, %swap3A_69] : memref<2x128xf32, #tpu.memory_space<vmem>>, vector<1x128xf32>
    tpu.vector_store %arg6[%swap3A_68, %swap3A_69], %add3A_67 {strides = array<i32>} : memref<2x128xf32, #tpu.memory_space<vmem>>, vector<1x128xf32>,
    return
  }
  func.func @transform_0(%arg0: i32) -> (i32, i32, i32) {
    %c0_i32 = arith.constant 0 : i32
    %c0_i32_0 = arith.constant 0 : i32
    %c0_i32_1 = arith.constant 0 : i32
    return %c0_i32, %arg0, %c0_i32_0 : i32, i32, i32
  }
  func.func @transform_1(%arg0: i32) -> (i32, i32, i32) {
    %c0_i32 = arith.constant 0 : i32
    %c0_i32_0 = arith.constant 0 : i32
    %c0_i32_1 = arith.constant 0 : i32
    %c0_i32_2 = arith.constant 0 : i32
    return %c0_i32, %c0_i32_0, %c0_i32_1 : i32, i32, i32
  }
  func.func @transform_2(%arg0: i32) -> (i32, i32) {
    %c0_i32 = arith.constant 0 : i32
    %c0_i32_0 = arith.constant 0 : i32
    %c0_i32_1 = arith.constant 0 : i32
    return %c0_i32, %c0_i32_0 : i32, i32
  }
  func.func @transform_3(%arg0: i32) -> (i32, i32) {
    %c0_i32 = arith.constant 0 : i32
    %c0_i32_0 = arith.constant 0 : i32
    %c0_i32_1 = arith.constant 0 : i32
    return %c0_i32, %c0_i32_0 : i32, i32
  }
  func.func @transform_4(%arg0: i32) -> (i32, i32) {
    %c0_i32 = arith.constant 0 : i32
    %c0_i32_0 = arith.constant 0 : i32
    return %arg0, %c0_i32 : i32, i32
  }
  func.func @transform_5(%arg0: i32) -> (i32, i32) {
    %c0_i32 = arith.constant 0 : i32
    %c0_i32_0 = arith.constant 0 : i32
    %c0_i32_1 = arith.constant 0 : i32
    return %c0_i32, %c0_i32_0 : i32, i32
  }
}

</mosaic_0001>

<sc_bundles>
// kernel: kernel.10.cloned.1.call-start
scs
__scs_entry_jumppad:
0x0: {  	(pc) =	sbr.rel $0x88, $3  }
0x1: {  	(tag) =	ssettag $0x0;
	lr =	simm.s32 $0x1  }
0x2: {  	[smem:$0x3F9B] =	sst lr;
	_ =	strace $0xD0000000  }
0x3: {  	_ = 	snop  }
0x4: {  	_ = 	snop  }
0x5: {  	_ = 	snop  }
0x6: {  	_ = 	snop  }
0x7: {  	_ = 	snop  }
__scs_overlays_trampoline_lowered:
0x8: {  	[smem:$0x3FAA] =	sst s0  }
0x9: {  	[smem:$0x3FAB] =	sst s1  }
0xa: {  	[smem:$0x3FAC] =	sst s2  }
0xb: {  	[smem:$0x3FAD] =	sst s3  }
0xc: {  	[smem:$0x3FAE] =	sst s4  }
0xd: {  	[smem:$0x3FAF] =	sst s5  }
0xe: {  	[smem:$0x3FB0] =	sst s6  }
0xf: {  	[smem:$0x3FB1] =	sst s7  }
0x10: {  	[smem:$0x3FB2] =	sst s8  }
0x11: {  	[smem:$0x3FB3] =	sst s9;
	s0 =	simm.s32 @!p0 $0x0  }
0x12: {  	s1 =	sld [smem:$0x3F99];
	s0 =	simm.s32 @p0 $0x1  }
0x13: {  	[smem:$0x3FB4] =	sst s0;
	s0 =	simm.s32 @!p1 $0x0  }
0x14: {  	s2 =	sld [smem:$0x3F98];
	s0 =	simm.s32 @p1 $0x1  }
0x15: {  	[smem:$0x3FB5] =	sst s0;
	s0 =	simm.s32 @!p2 $0x0  }
0x16: {  	s3 =	sld [smem:$0x3FDB];
	s0 =	simm.s32 @p2 $0x1  }
0x17: {  	s4 =	simm.s32 $0x1BF5;
	[smem:$0x3FB7] =	sst s0  }
0x18: {  	s0 =	sld [smem:$0x3F9A];
	_ =	swait.ge [sflag:s4], $0x0  }
0x19: {  	s7 =	sld [smem:$0x3F9B]  }
0x1a: {  	s8 =	sadd.s32 $0xFFFFE003, lr  }
0x1b: {  	s9 =	sadd.s32 $0xFFFFFEF7, lr;
	s5 =	simm.s32 $0xFFFFFFFF;
	p2 =	slt.u32 s8, $0xFFFFF086  }
0x1c: {  	p1 =	slt.u32 s9, $0xF7A;
	s5 =	simm.s32 @!p2 $0x0  }
0x1d: {  	s5 =	simm.s32 @p1 $0x1;
	p0 =	seq.s32 s7, s2  }
0x1e: {  	s7 =	smul.u32 @!p0 $0xF7A, s2;
	p2 =	seq.s32 @!p0 s5, $0x0  }
0x1f: {  	s9 =	smul.u32 $0xF7A, s1;
	s8 =	simm.s32 @!p0 $0x1BF5;
	p2 =	por !p2, p0  }
0x20: {  	[sflag:s8] =	ssyncset.s32 @!p0 $0xFFFFF086;
	s6 =	sadd.s32 @!p0 s3, s7;
	s7 =	simm.s32 @!p0 $0x108  }
0x21: {  	s3 =	sadd.s32 s3, s9;
	s6 =	sadd.s32 @!p0 $0x88, s6;
	s7 =	simm.s32 @p2 $0x1082  }
0x22: {  	[simem:s7], [sflag:s8] =	dma.local @!p0 [hbm:s6], $0xF7A  }
0x23: {  	s9 =	sor.u32 $0xD0000000, s2;
	s6 =	simm.s32 $0x108;
	_ =	swait.ge @!p0 [sflag:s8], $0x0  }
0x24: {  	s3 =	sadd.s32 $0x88, s3;
	s6 =	simm.s32 @!p1 $0x1082;
	[sflag:s4] =	ssyncset.s32 $0xFFFFF086  }
0x25: {  	[simem:s6], [sflag:s4] =	dma.local [hbm:s3], $0xF7A  }
0x26: {  	[smem:$0x3F9B] =	sst s1;
	(tag) =	ssettag s2;
	_ =	strace s9  }
0x27: {  	s1 =	sld [smem:$0x3FAB]  }
0x28: {  	s2 =	sld [smem:$0x3FAC]  }
0x29: {  	s4 =	sld [smem:$0x3FAE]  }
0x2a: {  	p0 =	seq.s32 s5, $0x0;
	s5 =	sld [smem:$0x3FAF]  }
0x2b: {  	s6 =	sld [smem:$0x3FB0]  }
0x2c: {  	s7 =	sld [smem:$0x3FB1]  }
0x2d: {  	s3 =	simm.s32 $0x108;
	s8 =	sld [smem:$0x3FB2]  }
0x2e: {  	s3 =	simm.s32 @!p0 $0x1082;
	s9 =	sld [smem:$0x3FB3]  }
0x2f: {  	lr =	sadd.s32 s0, s3;
	s0 =	sld [smem:$0x3FAA]  }
0x30: {  	s3 =	sld [smem:$0x3FAD]  }
0x31: {  	[smem:$0x3FB6] =	sst s10  }
0x32: {  	s10 =	sld [smem:$0x3FB4];
	_ =	sdelay $0x3  }
0x33: {  	p0 =	seq.s32 s10, $0x1;
	s10 =	sld [smem:$0x3FB6];
	_ =	sdelay $0x3  }
0x34: {  	[smem:$0x3FB6] =	sst s10  }
0x35: {  	s10 =	sld [smem:$0x3FB5];
	_ =	sdelay $0x3  }
0x36: {  	p1 =	seq.s32 s10, $0x1;
	s10 =	sld [smem:$0x3FB6];
	_ =	sdelay $0x3  }
0x37: {  	[smem:$0x3FB6] =	sst s10  }
0x38: {  	s10 =	sld [smem:$0x3FB7]  }
0x39: {  	_ = 	snop;
	(pc) =	sbr.ind lr, $3  }
0x3a: {  	_ = 	snop  }
0x3b: {  	_ = 	snop  }
0x3c: {  	p2 =	seq.s32 s10, $0x1;
	s10 =	sld [smem:$0x3FB6]  }
0x3d: {  	_ =	shalt  }
0x3e: {  	_ =	shalt  }
0x3f: {  	_ =	shalt  }
0x40: {  	_ =	shalt  }
0x41: {  	_ =	shalt  }
0x42: {  	_ =	shalt  }
0x43: {  	_ =	shalt  }
0x44: {  	_ =	shalt  }
0x45: {  	_ =	shalt  }
0x46: {  	_ =	shalt  }
0x47: {  	_ =	shalt  }
0x48: {  	_ =	shalt  }
0x49: {  	_ =	shalt  }
0x4a: {  	_ =	shalt  }
0x4b: {  	_ =	shalt  }
0x4c: {  	_ =	shalt  }
0x4d: {  	_ =	shalt  }
0x4e: {  	_ =	shalt  }
0x4f: {  	_ =	shalt  }
0x50: {  	_ =	shalt  }
0x51: {  	_ =	shalt  }
0x52: {  	_ =	shalt  }
0x53: {  	_ =	shalt  }
0x54: {  	_ =	shalt  }
0x55: {  	_ =	shalt  }
0x56: {  	_ =	shalt  }
0x57: {  	_ =	shalt  }
0x58: {  	_ =	shalt  }
0x59: {  	_ =	shalt  }
0x5a: {  	_ =	shalt  }
0x5b: {  	_ =	shalt  }
0x5c: {  	_ =	shalt  }
0x5d: {  	_ =	shalt  }
0x5e: {  	_ =	shalt  }
0x5f: {  	_ =	shalt  }
0x60: {  	_ =	shalt  }
0x61: {  	_ =	shalt  }
0x62: {  	_ =	shalt  }
0x63: {  	_ =	shalt  }
0x64: {  	_ =	shalt  }
0x65: {  	_ =	shalt  }
0x66: {  	_ =	shalt  }
0x67: {  	_ =	shalt  }
0x68: {  	_ =	shalt  }
0x69: {  	_ =	shalt  }
0x6a: {  	_ =	shalt  }
0x6b: {  	_ =	shalt  }
0x6c: {  	_ =	shalt  }
0x6d: {  	_ =	shalt  }
0x6e: {  	_ =	shalt  }
0x6f: {  	_ =	shalt  }
0x70: {  	_ =	shalt  }
0x71: {  	_ =	shalt  }
0x72: {  	_ =	shalt  }
0x73: {  	_ =	shalt  }
0x74: {  	_ =	shalt  }
0x75: {  	_ =	shalt  }
0x76: {  	_ =	shalt  }
0x77: {  	_ =	shalt  }
0x78: {  	_ =	shalt  }
0x79: {  	_ =	shalt  }
0x7a: {  	_ =	shalt  }
0x7b: {  	_ =	shalt  }
0x7c: {  	_ =	shalt  }
0x7d: {  	_ =	shalt  }
0x7e: {  	_ =	shalt  }
0x7f: {  	_ =	shalt  }
0x80: {  	_ =	shalt  }
0x81: {  	_ =	shalt  }
0x82: {  	_ =	shalt  }
0x83: {  	_ =	shalt  }
0x84: {  	_ =	shalt  }
0x85: {  	_ =	shalt  }
0x86: {  	_ =	shalt  }
0x87: {  	_ =	shalt  }
.Lfunc_end0:
.L_simem_size_0:
called_computation.1_lowered:
.L_overlay_start_0:
0x88: {  	s2 =	sld [smem:$0x3FD9]  }
0x89: {  	s3 =	sld [smem:$0x3FFE];
	_ =	sdelay $0x1  }
0x8a: {  	s1 =	srdreg.scid  }
0x8b: {  	s0 =	sand.u32 $0x1, s1  }
0x8c: {  	s17 =	sshll.u32 s0, $0xA;
	s2 =	sadd.s32 s3, s2  }
0x8d: {  	s2 =	sadd.s32 s2, s17  }
0x8e: {  	[smem:$0x3FC2] =	sst s2  }
0x8f: {  	_ = 	snop  }
0x90: {  	s2 =	sld [smem:$0x3FD0];
	(tm) =	ssettm $0x1  }
0x91: {  	s18 =	sld [smem:$0x3FFB];
	_ =	sdelay $0x3  }
0x92: {  	_ =	strace s18  }
0x93: {  	s3 =	sld [smem:$0x3FFC];
	_ =	sdelay $0x3  }
0x94: {  	_ =	strace s3  }
0x95: {  	s3 =	sld [smem:$0x3FFD];
	_ =	sdelay $0x3  }
0x96: {  	_ =	strace s3  }
0x97: {  	_ =	strace $0x8FFFFFFF  }
0x98: {  	s19 =	sld [smem:$0x3FDB];
	_ =	sdelay $0x1  }
0x99: {  	s4 =	simm.s32 $_scs_section_size  }
0x9a: {  	s5 =	simm.s32 $_size__tile_overlayer_lowered;
	s6 =	simm.s32 $_tile_overlayer_lowered  }
0x9b: {  	s22 =	simm.s32 $0x1BFF;
	s21 =	sshll.u32 s6, $0x1;
	s3 =	sadd.s32 s4, s19  }
0x9c: {  	s7 =	simm.s32 $0x0;
	s20 =	sshll.u32 s5, $0x1;
	s5 =	sadd.s32 s21, s3  }
0x9d: {  	[timem:s7], [sflag:s22] =	dma.local [hbm:s5], s20  }
0x9e: {  	_ =	swait.ge [sflag:s22], s20  }
0x9f: {  	s4 =	ssub.s32 $0x0, s20;
	[sflag:s22] =	ssyncset.done $0x0  }
0xa0: {  	[sflag:s22] =	ssyncadd.s32 s4;
	_ =	sdelay $0x1  }
0xa1: {  	s23 =	simm.s32 $0x1B8B  }
0xa2: {  	_ =	swait.ge [sflag:s23], $0x1  }
0xa3: {  	[sflag:s23] =	ssyncset.done $0x0  }
0xa4: {  	s25 =	simm.s32 $0x1B8E;
	s24 =	sld [smem:$0x3FFE];
	[sflag:s23] =	ssyncadd.s32 $0xFFFFFFFF  }
0xa5: {  	s26 =	simm.s32 $execute0_lowered;
	[smem:$0x3FD2] =	sst s25  }
0xa6: {  	s5 =	sshll.u32 s26, $0x1;
	_ =	strace $0x80000049;
	[dreg:$0x1] =	wrdreg $0xFFFFFFFF  }
0xa7: {  	s28 =	simm.s32 $_size_execute0_lowered;
	s3 =	sadd.s32 s3, s5;
	[dreg:$0x0] =	wrdreg $0x0  }
0xa8: {  	s5 =	sshll.u32 s28, $0x1;
	[dreg:$0x2] =	wrdreg s3  }
0xa9: {  	[dreg:$0x3] =	wrdreg s5  }
0xaa: {  	[dreg:$0x4] =	wrdreg $0xC0  }
0xab: {  	_ =	task [dreg:s7], $0x5FFFF  }
0xac: {  	[dreg:$0x1] =	wrdreg $0xFFFFFFFF  }
0xad: {  	[dreg:$0x0] =	wrdreg $0x60  }
0xae: {  	[dreg:$0x2] =	wrdreg s24  }
0xaf: {  	[dreg:$0x3] =	wrdreg s2  }
0xb0: {  	[dreg:$0x4] =	wrdreg $0x90000  }
0xb1: {  	[dreg:$0x5] =	wrdreg $0x9  }
0xb2: {  	_ =	task.clear_ibuf [dreg:s7], $0x6FFFF;
	_ =	strace $0x90000049  }
0xb3: {  	s29 =	simm.s32 $0x9;
	_ =	strace $0x8000004B  }
0xb4: {  	_ =	swait.ge [sflag:s29], $0x1  }
0xb5: {  	[sflag:s29] =	ssyncadd.s32 $0xFFFFFFFF  }
0xb6: {  	_ =	strace $0x9000004B  }
0xb7: {  	_ =	sfence  }
0xb8: {  	s30 =	sld [smem:$0x0];
	_ =	sdelay $0x2  }
0xb9: {  	s31 =	sshll.u32 s1, $0xD;
	s1 =	sshrl.u32 s1, $0x2  }
0xba: {  	s3 =	sand.u32 $0x4000, s31;
	s1 =	sadd.s32 s1, s30  }
0xbb: {  	s0 =	sor.u32 s3, s0;
	s1 =	sshll.u32 s1, $0x11  }
0xbc: {  	s0 =	sor.u32 s1, s0  }
0xbd: {  	s0 =	sadd.s32 $0x8F2B, s0  }
0xbe: {  	[sflag:s0] =	ssyncadd.remote.s32 $0x1  }
0xbf: {  	_ =	sfence.sel $0xFFFF  }
0xc0: {  	[dreg:$0x0] =	wrdreg $0xFFFFFFFF;
	(pc) =	sbr.abs _section_cstart, $3  }
0xc1: {  	[dreg:$0x1] =	wrdreg $0xFFFFFFFF  }
0xc2: {  	_ =	task.clear_ibuf [dreg:s7], $0x2FFFF;
	_ =	strace $0x9FFFFFFF  }
0xc3: {  	(tm) =	ssettm $0x7FFFFFFF  }
tec
execute0_lowered:
.L_overlay_start_1:
0x0: {  	(tag) =	ssettag $0x1  }
0x1: {  	s5 =	rddreg [dreg:$0x0]  }
0x2: {  	s7 =	rddreg [dreg:$0x1]  }
0x3: {  	s2 =	rddreg [dreg:$0x2]  }
0x4: {  	s0 =	rddreg [dreg:$0x3];
	s1 =	stileid.u32  }
0x5: {  	s4 =	srdreg.scid;
	s3 =	simm.s32 $0x0;
	s16 =	smul.u32 $0x2780, s1  }
0x6: {  	s14 =	simm.s32 $0x5000;
	s15 =	simm.s32 $0x1;
	s10 =	smul.u32 $0x4F000, s1  }
0x7: {  	s6 =	sand.u32 $0x1, s4;
	[smem:$0x7FF] =	sst s3;
	s12 =	smul.u32 $0x2800, s1  }
0x8: {  	s4 =	sadd.s32 $0x2A600, s5;
	s31 =	sshll.u32 s1, $0x6;
	s8 =	smul.u32 $0x27800, s6  }
0x9: {  	_ =	strace $0x8000004A;
	s9 =	ssub.s32 $0x2, s6;
	p0 =	seq.s32 s6, $0x0  }
0xa: {  	s6 =	sor.u32 $0x1C02, s31;
	s11 =	sshrl.u32 s9, $0x1;
	s13 =	sadd.s32 s16, s5  }
0xb: {  	s29 =	sshrl.u32 s10, $0x2;
	s10 =	sadd.s32 $0x28000, s12;
	s8 =	sadd.s32 s8, s5  }
0xc: {  	s9 =	ssub.s32 s9, s11;
	s30 =	sadd.s32 s29, s2;
	s10 =	smov.u32 @p0 s12  }
0xd: {  	s5 =	sadd.s32 $0x51E00, s13;
	s11 =	simm.s32 $0x2800;
	s12 =	simm.s32 $0x50000  }
0xe: {  	s13 =	simm.s32 $0x80;
	s10 =	sshrl.u32 s10, $0x3;
	s17 =	sadd.s32 $0x79600, s8  }
0xf: {  	s8 =	smax.u32 s9, $0x1;
	s9 =	sshrl.u32 s30, $0x3;
	s7 =	sadd.s32 s7, s10  }
0x10: {  	s10 =	simm.s32 $0x2;
	s16 =	sadd.s32 s16, s17;
	s17 =	simm.s32 $0x0  }
.LBB2_1:
0x11: {  	[spmem:s9], [sflag:s6] =	dma.local [hbm:s5], $0x2780  }
0x12: {  	_ =	swait.ge [sflag:s10], $0x2780  }
0x13: {  	[sflag:s10] =	ssyncset.done $0x0  }
0x14: {  	[sflag:s10] =	ssyncadd.s32 $0xFFFFD880  }
0x15: {  	[bflag:$0x0] =	sbarrier.arrive $0xFFFF  }
0x16: {  	[tilespmem:s3], [sflag:$0x2] =	stream.strided.gather [hbm4b:s7+s11], $0x5000, s12, s11, $0x38;
	[tilespmem:$0x1CC00] =	vst v63  }
0x17: {  	_ =	swait.ge [sflag:s10], $0x5000  }
0x18: {  	[sflag:s10] =	ssyncset.done $0x0  }
0x19: {  	s18 =	simm.s32 $0x0;
	[sflag:s10] =	ssyncadd.s32 $0xFFFFB000  }
0x1a: {  	[tilespmem:s14], [sflag:$0x1] =	stream.indirect.gather [hbm4b:s4+s13], $0x80, s18, s13, $0xb8;
	[tilespmem:$0x1CC00] =	vst v63  }
0x1b: {  	_ =	swait.ge [sflag:s15], $0x4000  }
0x1c: {  	[sflag:s15] =	ssyncset.done $0x0  }
0x1d: {  	s31 =	simm.s32 $0x2800;
	[sflag:s15] =	ssyncadd.s32 $0xFFFFC000  }
0x1e: {  	[spmem:s2] =	stream.indirect.scatter.add.f32 [tilespmem:s14], [sflag:$0x2], $0x80, s31, s13, $0xb8;
	[tilespmem:$0x1CC00] =	vst v63  }
0x1f: {  	_ =	swait.ge [sflag:s10], $0x4000  }
0x20: {  	s19 =	simm.s32 $0x400;
	s18 =	simm.s32 $0x200;
	[sflag:s10] =	ssyncset.done $0x0  }
.LBB2_2:
0x21: {  	s20 =	sshra.s32 s18, $0x2  }
0x22: {  	[sflag:s10] =	ssyncadd.s32 $0xFFFFC000;
	s18 =	smov.u32 s19;
	s21 =	sadd.s32 $0x200, s19  }
0x23: {  	[tilespmem:s14], [sflag:$0x1] =	stream.indirect.gather [hbm4b:s4+s13], $0x80, s20, s13, $0xb8;
	[tilespmem:$0x1CC00] =	vst v63  }
0x24: {  	p0 =	sne.s32 s19, $0x9E00;
	_ =	swait.ge [sflag:s15], $0x4000  }
.Ltmp0:
0x25: {  	[sflag:s15] =	ssyncset.done $0x0;
	(pc) =	sbr.rel @p0 .LBB2_2-.Ltmp0, $4  }
0x26: {  	s19 =	sadd.s32 $0x2800, s20;
	[sflag:s15] =	ssyncadd.s32 $0xFFFFC000  }
0x27: {  	[spmem:s2] =	stream.indirect.scatter.add.f32 [tilespmem:s14], [sflag:$0x2], $0x80, s19, s13, $0xb8;
	[tilespmem:$0x1CC00] =	vst v63  }
0x28: {  	_ =	swait.ge [sflag:s10], $0x4000  }
0x29: {  	s19 =	smov.u32 s21;
	[sflag:s10] =	ssyncset.done $0x0  }
0x2a: {  	s18 =	sshra.s32 s18, $0x2;
	[sflag:s10] =	ssyncadd.s32 $0xFFFFC000  }
0x2b: {  	[tilespmem:s14], [sflag:$0x1] =	stream.indirect.gather [hbm4b:s4+s13], $0x80, s18, s13, $0xb8;
	[tilespmem:$0x1CC00] =	vst v63  }
0x2c: {  	_ =	swait.ge [sflag:s15], $0x4000  }
0x2d: {  	[sflag:s15] =	ssyncset.done $0x0  }
0x2e: {  	s18 =	sadd.s32 $0x2800, s18;
	[sflag:s15] =	ssyncadd.s32 $0xFFFFC000  }
0x2f: {  	[spmem:s2] =	stream.indirect.scatter.add.f32 [tilespmem:s14], [sflag:$0x2], $0x80, s18, s13, $0xb8;
	[tilespmem:$0x1CC00] =	vst v63  }
0x30: {  	_ =	swait.ge [sflag:s10], $0x4000  }
0x31: {  	s17 =	sadd.s32 $0x1, s17;
	[sflag:s10] =	ssyncset.done $0x0  }
0x32: {  	p0 =	sne.s32 s17, s8;
	[sflag:s10] =	ssyncadd.s32 $0xFFFFC000  }
.Ltmp1:
0x33: {  	[bflag:$0x0] =	sbarrier.arrive $0xFFFF;
	(pc) =	sbr.rel @p0 .LBB2_1-.Ltmp1, $4  }
0x34: {  	[hbm:s16], [sflag:s6] =	dma.local [spmem:s9], $0x2780  }
0x35: {  	_ =	swait.ge [sflag:s10], $0x2780  }
0x36: {  	[sflag:s10] =	ssyncset.done $0x0  }
0x37: {  	[sflag:s10] =	ssyncadd.s32 $0xFFFFD880  }
0x38: {  	_ =	sfence.sel $0x180000  }
0x39: {  	[bflag:$0x0] =	sbarrier.arrive $0xFFFF  }
0x3a: {  	p0 =	sne.s32 s1, $0x0;
	_ =	strace $0x9000004A  }
0x3b: {  	s0 =	sadd.s32 @!p0 $0x100000, s0;
	[bflag:$0x2] =	sbarrier.arrive $0xFFFF  }
0x3c: {  	[sflag:s0] =	ssyncadd.tile.s32 @!p0 $0x1;
	_ =	shalt  }
.Lfunc_end2:
_tile_overlayer_lowered:
.L_overlay_start_2:
0x3d: {  	(tag) =	ssettag $0x2  }
0x3e: {  	s0 =	rddreg [dreg:$0x0];
	s2 =	stileid.u32  }
0x3f: {  	s1 =	rddreg [dreg:$0x1];
	p0 =	sne.s32 s2, $0x0  }
0x40: {  	s3 =	rddreg [dreg:$0x2];
	[bflag:$0x3] =	sbarrier.arrive $0xFFFF;
	s2 =	simm.s32 @!p0 $0x1C02  }
0x41: {  	[timem:s3], [sflag:s2] =	dma.local @!p0 [hbm:s0], s1  }
0x42: {  	s0 =	simm.s32 @!p0 $0x2  }
0x43: {  	_ =	swait.ge @!p0 [sflag:s0], s1  }
0x44: {  	s1 =	ssub.s32 @!p0 $0x0, s1;
	[sflag:s0] =	ssyncset.done @!p0 $0x0  }
0x45: {  	[sflag:s0] =	ssyncadd.s32 @!p0 s1  }
0x46: {  	[bflag:$0x3] =	sbarrier.arrive $0xFFFF  }
0x47: {  	_ =	shalt  }

// kernel: kernel.7.cloned.1.call-start
scs
__scs_entry_jumppad:
0x0: {  	(pc) =	sbr.rel $0x88, $3  }
0x1: {  	(tag) =	ssettag $0x0;
	lr =	simm.s32 $0x1  }
0x2: {  	[smem:$0x3F9B] =	sst lr;
	_ =	strace $0xD0000000  }
0x3: {  	_ = 	snop  }
0x4: {  	_ = 	snop  }
0x5: {  	_ = 	snop  }
0x6: {  	_ = 	snop  }
0x7: {  	_ = 	snop  }
__scs_overlays_trampoline_lowered:
0x8: {  	[smem:$0x3FAA] =	sst s0  }
0x9: {  	[smem:$0x3FAB] =	sst s1  }
0xa: {  	[smem:$0x3FAC] =	sst s2  }
0xb: {  	[smem:$0x3FAD] =	sst s3  }
0xc: {  	[smem:$0x3FAE] =	sst s4  }
0xd: {  	[smem:$0x3FAF] =	sst s5  }
0xe: {  	[smem:$0x3FB0] =	sst s6  }
0xf: {  	[smem:$0x3FB1] =	sst s7  }
0x10: {  	[smem:$0x3FB2] =	sst s8  }
0x11: {  	[smem:$0x3FB3] =	sst s9;
	s0 =	simm.s32 @!p0 $0x0  }
0x12: {  	s1 =	sld [smem:$0x3F99];
	s0 =	simm.s32 @p0 $0x1  }
0x13: {  	[smem:$0x3FB4] =	sst s0;
	s0 =	simm.s32 @!p1 $0x0  }
0x14: {  	s2 =	sld [smem:$0x3F98];
	s0 =	simm.s32 @p1 $0x1  }
0x15: {  	[smem:$0x3FB5] =	sst s0;
	s0 =	simm.s32 @!p2 $0x0  }
0x16: {  	s3 =	sld [smem:$0x3FDB];
	s0 =	simm.s32 @p2 $0x1  }
0x17: {  	s4 =	simm.s32 $0x1BF5;
	[smem:$0x3FB7] =	sst s0  }
0x18: {  	s0 =	sld [smem:$0x3F9A];
	_ =	swait.ge [sflag:s4], $0x0  }
0x19: {  	s7 =	sld [smem:$0x3F9B]  }
0x1a: {  	s8 =	sadd.s32 $0xFFFFE003, lr  }
0x1b: {  	s9 =	sadd.s32 $0xFFFFFEF7, lr;
	s5 =	simm.s32 $0xFFFFFFFF;
	p2 =	slt.u32 s8, $0xFFFFF086  }
0x1c: {  	p1 =	slt.u32 s9, $0xF7A;
	s5 =	simm.s32 @!p2 $0x0  }
0x1d: {  	s5 =	simm.s32 @p1 $0x1;
	p0 =	seq.s32 s7, s2  }
0x1e: {  	s7 =	smul.u32 @!p0 $0xF7A, s2;
	p2 =	seq.s32 @!p0 s5, $0x0  }
0x1f: {  	s9 =	smul.u32 $0xF7A, s1;
	s8 =	simm.s32 @!p0 $0x1BF5;
	p2 =	por !p2, p0  }
0x20: {  	[sflag:s8] =	ssyncset.s32 @!p0 $0xFFFFF086;
	s6 =	sadd.s32 @!p0 s3, s7;
	s7 =	simm.s32 @!p0 $0x108  }
0x21: {  	s3 =	sadd.s32 s3, s9;
	s6 =	sadd.s32 @!p0 $0x88, s6;
	s7 =	simm.s32 @p2 $0x1082  }
0x22: {  	[simem:s7], [sflag:s8] =	dma.local @!p0 [hbm:s6], $0xF7A  }
0x23: {  	s9 =	sor.u32 $0xD0000000, s2;
	s6 =	simm.s32 $0x108;
	_ =	swait.ge @!p0 [sflag:s8], $0x0  }
0x24: {  	s3 =	sadd.s32 $0x88, s3;
	s6 =	simm.s32 @!p1 $0x1082;
	[sflag:s4] =	ssyncset.s32 $0xFFFFF086  }
0x25: {  	[simem:s6], [sflag:s4] =	dma.local [hbm:s3], $0xF7A  }
0x26: {  	[smem:$0x3F9B] =	sst s1;
	(tag) =	ssettag s2;
	_ =	strace s9  }
0x27: {  	s1 =	sld [smem:$0x3FAB]  }
0x28: {  	s2 =	sld [smem:$0x3FAC]  }
0x29: {  	s4 =	sld [smem:$0x3FAE]  }
0x2a: {  	p0 =	seq.s32 s5, $0x0;
	s5 =	sld [smem:$0x3FAF]  }
0x2b: {  	s6 =	sld [smem:$0x3FB0]  }
0x2c: {  	s7 =	sld [smem:$0x3FB1]  }
0x2d: {  	s3 =	simm.s32 $0x108;
	s8 =	sld [smem:$0x3FB2]  }
0x2e: {  	s3 =	simm.s32 @!p0 $0x1082;
	s9 =	sld [smem:$0x3FB3]  }
0x2f: {  	lr =	sadd.s32 s0, s3;
	s0 =	sld [smem:$0x3FAA]  }
0x30: {  	s3 =	sld [smem:$0x3FAD]  }
0x31: {  	[smem:$0x3FB6] =	sst s10  }
0x32: {  	s10 =	sld [smem:$0x3FB4];
	_ =	sdelay $0x3  }
0x33: {  	p0 =	seq.s32 s10, $0x1;
	s10 =	sld [smem:$0x3FB6];
	_ =	sdelay $0x3  }
0x34: {  	[smem:$0x3FB6] =	sst s10  }
0x35: {  	s10 =	sld [smem:$0x3FB5];
	_ =	sdelay $0x3  }
0x36: {  	p1 =	seq.s32 s10, $0x1;
	s10 =	sld [smem:$0x3FB6];
	_ =	sdelay $0x3  }
0x37: {  	[smem:$0x3FB6] =	sst s10  }
0x38: {  	s10 =	sld [smem:$0x3FB7]  }
0x39: {  	_ = 	snop;
	(pc) =	sbr.ind lr, $3  }
0x3a: {  	_ = 	snop  }
0x3b: {  	_ = 	snop  }
0x3c: {  	p2 =	seq.s32 s10, $0x1;
	s10 =	sld [smem:$0x3FB6]  }
0x3d: {  	_ =	shalt  }
0x3e: {  	_ =	shalt  }
0x3f: {  	_ =	shalt  }
0x40: {  	_ =	shalt  }
0x41: {  	_ =	shalt  }
0x42: {  	_ =	shalt  }
0x43: {  	_ =	shalt  }
0x44: {  	_ =	shalt  }
0x45: {  	_ =	shalt  }
0x46: {  	_ =	shalt  }
0x47: {  	_ =	shalt  }
0x48: {  	_ =	shalt  }
0x49: {  	_ =	shalt  }
0x4a: {  	_ =	shalt  }
0x4b: {  	_ =	shalt  }
0x4c: {  	_ =	shalt  }
0x4d: {  	_ =	shalt  }
0x4e: {  	_ =	shalt  }
0x4f: {  	_ =	shalt  }
0x50: {  	_ =	shalt  }
0x51: {  	_ =	shalt  }
0x52: {  	_ =	shalt  }
0x53: {  	_ =	shalt  }
0x54: {  	_ =	shalt  }
0x55: {  	_ =	shalt  }
0x56: {  	_ =	shalt  }
0x57: {  	_ =	shalt  }
0x58: {  	_ =	shalt  }
0x59: {  	_ =	shalt  }
0x5a: {  	_ =	shalt  }
0x5b: {  	_ =	shalt  }
0x5c: {  	_ =	shalt  }
0x5d: {  	_ =	shalt  }
0x5e: {  	_ =	shalt  }
0x5f: {  	_ =	shalt  }
0x60: {  	_ =	shalt  }
0x61: {  	_ =	shalt  }
0x62: {  	_ =	shalt  }
0x63: {  	_ =	shalt  }
0x64: {  	_ =	shalt  }
0x65: {  	_ =	shalt  }
0x66: {  	_ =	shalt  }
0x67: {  	_ =	shalt  }
0x68: {  	_ =	shalt  }
0x69: {  	_ =	shalt  }
0x6a: {  	_ =	shalt  }
0x6b: {  	_ =	shalt  }
0x6c: {  	_ =	shalt  }
0x6d: {  	_ =	shalt  }
0x6e: {  	_ =	shalt  }
0x6f: {  	_ =	shalt  }
0x70: {  	_ =	shalt  }
0x71: {  	_ =	shalt  }
0x72: {  	_ =	shalt  }
0x73: {  	_ =	shalt  }
0x74: {  	_ =	shalt  }
0x75: {  	_ =	shalt  }
0x76: {  	_ =	shalt  }
0x77: {  	_ =	shalt  }
0x78: {  	_ =	shalt  }
0x79: {  	_ =	shalt  }
0x7a: {  	_ =	shalt  }
0x7b: {  	_ =	shalt  }
0x7c: {  	_ =	shalt  }
0x7d: {  	_ =	shalt  }
0x7e: {  	_ =	shalt  }
0x7f: {  	_ =	shalt  }
0x80: {  	_ =	shalt  }
0x81: {  	_ =	shalt  }
0x82: {  	_ =	shalt  }
0x83: {  	_ =	shalt  }
0x84: {  	_ =	shalt  }
0x85: {  	_ =	shalt  }
0x86: {  	_ =	shalt  }
0x87: {  	_ =	shalt  }
.Lfunc_end0:
.L_simem_size_0:
called_computation_lowered:
.L_overlay_start_0:
0x88: {  	s2 =	sld [smem:$0x3FD9]  }
0x89: {  	s3 =	sld [smem:$0x3FFE];
	_ =	sdelay $0x1  }
0x8a: {  	s1 =	srdreg.scid  }
0x8b: {  	s0 =	sand.u32 $0x1, s1  }
0x8c: {  	s16 =	sshll.u32 s0, $0xA;
	s2 =	sadd.s32 s3, s2  }
0x8d: {  	s2 =	sadd.s32 s2, s16  }
0x8e: {  	[smem:$0x3FC2] =	sst s2  }
0x8f: {  	_ = 	snop  }
0x90: {  	(tm) =	ssettm $0x1  }
0x91: {  	s17 =	sld [smem:$0x3FFB];
	_ =	sdelay $0x3  }
0x92: {  	_ =	strace s17  }
0x93: {  	s2 =	sld [smem:$0x3FFC];
	_ =	sdelay $0x3  }
0x94: {  	_ =	strace s2  }
0x95: {  	s2 =	sld [smem:$0x3FFD];
	_ =	sdelay $0x3  }
0x96: {  	_ =	strace s2  }
0x97: {  	_ =	strace $0x8FFFFFFF  }
0x98: {  	s18 =	sld [smem:$0x3FDB];
	_ =	sdelay $0x1  }
0x99: {  	s19 =	simm.s32 $_scs_section_size  }
0x9a: {  	s4 =	simm.s32 $_size__tile_overlayer_lowered;
	s5 =	simm.s32 $_tile_overlayer_lowered  }
0x9b: {  	s22 =	simm.s32 $0x1BFF;
	s21 =	sshll.u32 s5, $0x1;
	s2 =	sadd.s32 s19, s18  }
0x9c: {  	s6 =	simm.s32 $0x0;
	s20 =	sshll.u32 s4, $0x1;
	s4 =	sadd.s32 s21, s2  }
0x9d: {  	[timem:s6], [sflag:s22] =	dma.local [hbm:s4], s20  }
0x9e: {  	_ =	swait.ge [sflag:s22], s20  }
0x9f: {  	s3 =	ssub.s32 $0x0, s20;
	[sflag:s22] =	ssyncset.done $0x0  }
0xa0: {  	[sflag:s22] =	ssyncadd.s32 s3;
	_ =	sdelay $0x1  }
0xa1: {  	s23 =	simm.s32 $0x1B8B  }
0xa2: {  	_ =	swait.ge [sflag:s23], $0x1  }
0xa3: {  	[sflag:s23] =	ssyncset.done $0x0  }
0xa4: {  	s25 =	simm.s32 $0x1B8E;
	s24 =	sld [smem:$0x3FFE];
	[sflag:s23] =	ssyncadd.s32 $0xFFFFFFFF  }
0xa5: {  	s26 =	simm.s32 $execute0_lowered;
	[smem:$0x3FD2] =	sst s25  }
0xa6: {  	s4 =	sshll.u32 s26, $0x1;
	_ =	strace $0x80000046;
	[dreg:$0x1] =	wrdreg $0xFFFFFFFF  }
0xa7: {  	s28 =	simm.s32 $_size_execute0_lowered;
	s2 =	sadd.s32 s2, s4;
	[dreg:$0x0] =	wrdreg $0x0  }
0xa8: {  	s4 =	sshll.u32 s28, $0x1;
	[dreg:$0x2] =	wrdreg s2  }
0xa9: {  	[dreg:$0x3] =	wrdreg s4  }
0xaa: {  	[dreg:$0x4] =	wrdreg $0xC0  }
0xab: {  	_ =	task [dreg:s6], $0x5FFFF  }
0xac: {  	[dreg:$0x1] =	wrdreg $0xFFFFFFFF  }
0xad: {  	[dreg:$0x0] =	wrdreg $0x60  }
0xae: {  	[dreg:$0x2] =	wrdreg s24  }
0xaf: {  	[dreg:$0x3] =	wrdreg $0x9  }
0xb0: {  	_ =	task.clear_ibuf [dreg:s6], $0x4FFFF;
	_ =	strace $0x90000046  }
0xb1: {  	s29 =	simm.s32 $0x9;
	_ =	strace $0x80000048  }
0xb2: {  	_ =	swait.ge [sflag:s29], $0x1  }
0xb3: {  	[sflag:s29] =	ssyncadd.s32 $0xFFFFFFFF  }
0xb4: {  	_ =	strace $0x90000048  }
0xb5: {  	_ =	sfence  }
0xb6: {  	s30 =	sld [smem:$0x0];
	_ =	sdelay $0x2  }
0xb7: {  	s31 =	sshll.u32 s1, $0xD;
	s1 =	sshrl.u32 s1, $0x2  }
0xb8: {  	s3 =	sand.u32 $0x4000, s31;
	s1 =	sadd.s32 s1, s30  }
0xb9: {  	s0 =	sor.u32 s3, s0;
	s1 =	sshll.u32 s1, $0x11  }
0xba: {  	s0 =	sor.u32 s1, s0  }
0xbb: {  	s0 =	sadd.s32 $0x8F2B, s0  }
0xbc: {  	[sflag:s0] =	ssyncadd.remote.s32 $0x1  }
0xbd: {  	_ =	sfence.sel $0xFFFF  }
0xbe: {  	[dreg:$0x0] =	wrdreg $0xFFFFFFFF;
	(pc) =	sbr.abs _section_cstart, $3  }
0xbf: {  	[dreg:$0x1] =	wrdreg $0xFFFFFFFF  }
0xc0: {  	_ =	task.clear_ibuf [dreg:s6], $0x2FFFF;
	_ =	strace $0x9FFFFFFF  }
0xc1: {  	(tm) =	ssettm $0x7FFFFFFF  }
tec
execute0_lowered:
.L_overlay_start_1:
0x0: {  	(tag) =	ssettag $0x1  }
0x1: {  	s0 =	srdreg.scid;
	s5 =	rddreg [dreg:$0x0]  }
0x2: {  	s2 =	simm.s32 $0x0;
	s10 =	simm.s32 $0x400;
	s3 =	sand.u32 $0x1, s0  }
0x3: {  	s11 =	simm.s32 $0x1;
	s0 =	stileid.u32;
	s1 =	sshll.u32 s3, $0x4  }
0x4: {  	s12 =	simm.s32 $0x2800;
	s13 =	simm.s32 $0x5000;
	s4 =	sor.u32 s0, s1  }
0x5: {  	s14 =	simm.s32 $0x7800;
	s15 =	simm.s32 $0x0;
	s1 =	sshrl.u32 s4, $0x3  }
0x6: {  	[smem:$0x7FF] =	sst s2;
	s7 =	sshll.u32 s0, $0x7;
	s6 =	smul.u32 $0x14000, s1  }
0x7: {  	s31 =	ssub.s32 $0x2, s3;
	s3 =	sadd.s32 $0x16000, s5;
	s7 =	sand.u32 $0x380, s7  }
0x8: {  	s8 =	sshrl.u32 s31, $0x1;
	s4 =	smul.u32 $0x500, s4;
	s6 =	sor.u32 s7, s6  }
0x9: {  	s8 =	ssub.s32 s31, s8;
	s1 =	rddreg [dreg:$0x1];
	s6 =	sshrl.u32 s6, $0x3  }
0xa: {  	_ =	strace $0x80000047;
	s9 =	sadd.s32 s4, s5;
	s6 =	sadd.s32 s6, s5  }
0xb: {  	s8 =	smax.u32 s8, $0x1;
	s7 =	sadd.s32 $0x20600, s9;
	s4 =	sadd.s32 $0xC000, s6  }
0xc: {  	v0 =	vimm.f32 $1.000000000e+00;
	s5 =	sadd.s32 $0x2000, s6;
	s6 =	sadd.s32 $0x16600, s9;
	s9 =	simm.s32 $0x80  }
.LBB2_1:
0xd: {  	[tilespmem:s2], [sflag:$0x1] =	stream.strided.gather [hbm4b:s4+s9], $0x2800, s10, s9, $0x38;
	[tilespmem:$0xA000] =	vst v63  }
0xe: {  	_ =	swait.ge [sflag:s11], $0x2800  }
0xf: {  	[sflag:s11] =	ssyncset.done $0x0  }
0x10: {  	[sflag:s11] =	ssyncadd.s32 $0xFFFFD800  }
0x11: {  	[tilespmem:s12], [sflag:$0x1] =	stream.strided.gather [hbm4b:s5+s9], $0x2800, s10, s9, $0x38;
	[tilespmem:$0xA000] =	vst v63  }
0x12: {  	_ =	swait.ge [sflag:s11], $0x2800  }
0x13: {  	[sflag:s11] =	ssyncset.done $0x0  }
0x14: {  	[sflag:s11] =	ssyncadd.s32 $0xFFFFD800  }
0x15: {  	[tilespmem:s13], [sflag:$0x1] =	stream.linear.gather [hbm4b:s3+s2], $0x2780, $0x38;
	[tilespmem:$0xA000] =	vst v63  }
0x16: {  	_ =	swait.ge [sflag:s11], $0x2780  }
0x17: {  	[sflag:s11] =	ssyncset.done $0x0  }
0x18: {  	[sflag:s11] =	ssyncadd.s32 $0xFFFFD880  }
0x19: {  	[tilespmem:s14], [sflag:$0x1] =	stream.linear.gather [hbm4b:s3+s2], $0x2780, $0x38;
	[tilespmem:$0xA000] =	vst v63  }
0x1a: {  	_ =	swait.ge [sflag:s11], $0x2780  }
0x1b: {  	[sflag:s11] =	ssyncset.done $0x0  }
0x1c: {  	s17 =	simm.s32 $0x0;
	s16 =	simm.s32 $0x40;
	[sflag:s11] =	ssyncadd.s32 $0xFFFFD880  }
.LBB2_2:
0x1d: {  	p0 =	sne.s32 s16, $0x9FC0;
	v1 =	vld [tilespmem:s17+$0x0];
	_ =	sdelay $0x7  }
0x1e: {  	[tilespmem:v1+s13+$0x0] =	vst.idx.add.f32.msk $0xffff, v0  }
0x1f: {  	v1 =	vld [tilespmem:s17+$0x2800];
	_ =	sdelay $0x3  }
.Ltmp0:
0x20: {  	(pc) =	sbr.rel @p0 .LBB2_2-.Ltmp0, $2  }
0x21: {  	_ =	sdelay $0x2  }
0x22: {  	s17 =	sshra.s32 s16, $0x2;
	s16 =	sadd.s32 $0x40, s16;
	[tilespmem:v1+s14+$0x0] =	vst.idx.add.f32.msk $0xffff, v0  }
0x23: {  	v1 =	vld [tilespmem:s17+$0x0];
	_ =	sdelay $0x7  }
0x24: {  	[tilespmem:v1+s13+$0x0] =	vst.idx.add.f32.msk $0xffff, v0  }
0x25: {  	v1 =	vld [tilespmem:s17+$0x2800];
	_ =	sdelay $0x7  }
0x26: {  	[tilespmem:v1+s14+$0x0] =	vst.idx.add.f32.msk $0xffff, v0  }
0x27: {  	[hbm4b:s6+s2] =	stream.linear.scatter [tilespmem:s13], [sflag:$0x1], $0x2780, $0x38;
	[tilespmem:$0xA000] =	vst v63  }
0x28: {  	s15 =	sadd.s32 $0x1, s15;
	_ =	swait.ge [sflag:s11], $0x2780  }
0x29: {  	p0 =	sne.s32 s15, s8;
	[sflag:s11] =	ssyncset.done $0x0  }
.Ltmp1:
0x2a: {  	[sflag:s11] =	ssyncadd.s32 $0xFFFFD880;
	(pc) =	sbr.rel @p0 .LBB2_1-.Ltmp1, $4  }
0x2b: {  	[hbm4b:s7+s2] =	stream.linear.scatter [tilespmem:s14], [sflag:$0x1], $0x2780, $0x38;
	[tilespmem:$0xA000] =	vst v63  }
0x2c: {  	_ =	swait.ge [sflag:s11], $0x2780  }
0x2d: {  	[sflag:s11] =	ssyncset.done $0x0  }
0x2e: {  	[sflag:s11] =	ssyncadd.s32 $0xFFFFD880  }
0x2f: {  	_ =	sfence.sel $0x180000  }
0x30: {  	[bflag:$0x0] =	sbarrier.arrive $0xFFFF  }
0x31: {  	p0 =	sne.s32 s0, $0x0;
	_ =	strace $0x90000047  }
0x32: {  	s0 =	sadd.s32 @!p0 $0x100000, s1;
	[bflag:$0x2] =	sbarrier.arrive $0xFFFF  }
0x33: {  	[sflag:s0] =	ssyncadd.tile.s32 @!p0 $0x1;
	_ =	shalt  }
.Lfunc_end2:
_tile_overlayer_lowered:
.L_overlay_start_2:
0x34: {  	(tag) =	ssettag $0x2  }
0x35: {  	s0 =	rddreg [dreg:$0x0];
	s2 =	stileid.u32  }
0x36: {  	s1 =	rddreg [dreg:$0x1];
	p0 =	sne.s32 s2, $0x0  }
0x37: {  	s3 =	rddreg [dreg:$0x2];
	[bflag:$0x3] =	sbarrier.arrive $0xFFFF;
	s2 =	simm.s32 @!p0 $0x1C01  }
0x38: {  	[timem:s3], [sflag:s2] =	dma.local @!p0 [hbm:s0], s1  }
0x39: {  	s0 =	simm.s32 @!p0 $0x1  }
0x3a: {  	_ =	swait.ge @!p0 [sflag:s0], s1  }
0x3b: {  	s1 =	ssub.s32 @!p0 $0x0, s1;
	[sflag:s0] =	ssyncset.done @!p0 $0x0  }
0x3c: {  	[sflag:s0] =	ssyncadd.s32 @!p0 s1  }
0x3d: {  	[bflag:$0x3] =	sbarrier.arrive $0xFFFF  }
0x3e: {  	_ =	shalt  }

</sc_bundles>
